<compile_context>
chip_gen: v7x
topology: tpu7x:2x2x1
jax: 0.10.2.dev20260603
libtpu: 0.0.44.dev20260713+nightly
codegen_flags: <defaults>
</compile_context>

<pallas_src>
import jax
import jax.numpy as jnp
from jax import lax
from jax.experimental import pallas as pl
from jax.experimental.pallas import tpu as pltpu
from jax.experimental.pallas import tpu_sc as plsc

VOCAB = 1000000
DIM = 64
CTX = 200
BATCH = 4096

NC = 2
NS = 16
NW = NC * NS
LANES = 16

B_PER_W = BATCH // NW
CHUNK = CTX
SEG = ((0, 104), (104, 96))
NBUF = 4


def _emb_kernel(tok_hbm, idx_hbm, pos_hbm, out_hbm, idx_v, pos_v, rows_v,
                sin, sout):
    wid = lax.axis_index("s") * NC + lax.axis_index("c")
    bbase = wid * B_PER_W

    pltpu.sync_copy(idx_hbm.at[pl.ds(bbase, B_PER_W)], idx_v)
    pltpu.sync_copy(pos_hbm, pos_v)

    def gather(c, b):
        for o, n in SEG:
            pltpu.async_copy(tok_hbm.at[idx_v.at[c, pl.ds(o, n)]],
                             rows_v.at[b, pl.ds(o, n)], sin[b])

    def wait_gather(c, b):
        for o, n in SEG:
            pltpu.make_async_copy(tok_hbm.at[idx_v.at[c, pl.ds(o, n)]],
                                  rows_v.at[b, pl.ds(o, n)], sin[b]).wait()

    def scatter(c, b):
        pltpu.async_copy(rows_v.at[b], out_hbm.at[bbase + c], sout[b])

    def wait_scatter(c, b):
        pltpu.make_async_copy(rows_v.at[b], out_hbm.at[bbase + c],
                              sout[b]).wait()

    gather(0, 0)
    gather(1, 1)

    def macro_body(i, carry):
        for b in range(NBUF):
            c = i * NBUF + b
            wait_gather(c, b)
            bn = (b + 2) % NBUF

            @pl.when(c + 2 < B_PER_W)
            def _():
                gather(c + 2, bn)

            def add_body(r, carry2):
                for u in range(4):
                    ru = r * 4 + u
                    for d in range(DIM // LANES):
                        sl = pl.ds(d * LANES, LANES)
                        plsc.addupdate(rows_v.at[b, ru, sl], pos_v[ru, sl])
                return carry2

            lax.fori_loop(0, CHUNK // 4, add_body, 0)
            scatter(c, b)
            wait_scatter(c, b)
        return carry

    lax.fori_loop(0, B_PER_W // NBUF, macro_body, 0)


@jax.jit
def _run(token_ids, tok_table, pos_table):
    mesh = plsc.VectorSubcoreMesh(core_axis_name="c", subcore_axis_name="s")
    return pl.kernel(
        _emb_kernel,
        mesh=mesh,
        out_type=jax.ShapeDtypeStruct((BATCH, CTX, DIM), jnp.float32),
        scratch_types=[
            pltpu.VMEM((B_PER_W, CTX), jnp.int32),
            pltpu.VMEM((CTX, DIM), jnp.float32),
            pltpu.VMEM((NBUF, CHUNK, DIM), jnp.float32),
            [pltpu.SemaphoreType.DMA] * NBUF,
            [pltpu.SemaphoreType.DMA] * NBUF,
        ],
        compiler_params=pltpu.CompilerParams(use_tc_tiling_on_sc=False),
    )(tok_table, token_ids.astype(jnp.int32), pos_table)


def kernel(token_ids, tok_table, pos_table):
    return _run(token_ids, tok_table, pos_table)

# --- scband reference (transcript-rebuilt; emitter-appended) ---
"""Pipeline reference for scband-token-embedding-6811818131544 (READ-ONLY COPY).

The authoritative reference and input builder live on the scoring server;
editing this copy changes nothing except your own understanding.
"""

import jax, jax.numpy as jnp
import numpy as np

VOCAB = 1000000
DIM = 64
CTX = 200
BATCH = 4096

def setup_inputs(seed: int = 0) -> dict:
    key = jax.random.key(seed)
    k1, k2, k3 = jax.random.split(key, 3)
    token_ids = jax.random.randint(k1, (BATCH, CTX), 0, VOCAB, dtype=jnp.int64 if jax.config.jax_enable_x64 else jnp.int32)
    tok_table = jax.random.normal(k2, (VOCAB, DIM), dtype=jnp.float32)
    pos_table = jax.random.normal(k3, (CTX, DIM), dtype=jnp.float32)
    return {"token_ids": token_ids, "tok_table": tok_table, "pos_table": pos_table}

def reference(token_ids, tok_table, pos_table):
    # token embedding lookup (gather) + positional embedding lookup via arange
    tok_emb = jnp.take(tok_table, token_ids, axis=0)            # [B, CTX, DIM]
    pos_emb = jnp.take(pos_table, jnp.arange(CTX), axis=0)      # [CTX, DIM]
    return tok_emb + pos_emb[None, :, :]

if __name__ == "__main__":
    import jax
    _d = setup_inputs()
    print(jax.jit(kernel)(*tuple(_d.values())))

</pallas_src>

<mosaic_0001>
#map = affine_map<(d0, d1) -> (0, 0)>
#map1 = affine_map<(d0, d1) -> (0, 0, 0)>
module attributes {stable_mosaic.version = 14 : i64} {
  func.func @_emb_kernel(%arg0: i32, %arg1: i32, %arg2: memref<1000000x64xf32, #tpu.memory_space<hbm>>, %arg3: memref<4096x200xi32, #tpu.memory_space<hbm>>, %arg4: memref<200x64xf32, #tpu.memory_space<hbm>>, %arg5: memref<4096x200x64xf32, #tpu.memory_space<hbm>>, %arg6: memref<128x200xi32, #tpu.memory_space<vmem>>, %arg7: memref<200x64xf32, #tpu.memory_space<vmem>>, %arg8: memref<4x200x64xf32, #tpu.memory_space<vmem>>, %arg9: memref<!tpu.dma_semaphore, #tpu.memory_space<semaphore_mem>>, %arg10: memref<!tpu.dma_semaphore, #tpu.memory_space<semaphore_mem>>, %arg11: memref<!tpu.dma_semaphore, #tpu.memory_space<semaphore_mem>>, %arg12: memref<!tpu.dma_semaphore, #tpu.memory_space<semaphore_mem>>, %arg13: memref<!tpu.dma_semaphore, #tpu.memory_space<semaphore_mem>>, %arg14: memref<!tpu.dma_semaphore, #tpu.memory_space<semaphore_mem>>, %arg15: memref<!tpu.dma_semaphore, #tpu.memory_space<semaphore_mem>>, %arg16: memref<!tpu.dma_semaphore, #tpu.memory_space<semaphore_mem>>) attributes {dimension_semantics = [#tpu.dimension_semantics<core_parallel>, #tpu.dimension_semantics<subcore_parallel>], iteration_bounds = array<i64: 2, 16>, scalar_prefetch = 0 : i64, scratch_operands = 11 : i64, tpu.core_type = #tpu.core_type<sc_vector_subcore>, window_params = [{transform_indices = #map}, {transform_indices = #map}, {transform_indices = #map}, {transform_indices = #map1}]} {
    %mul3A = arith.constant 2 : i32
    %mul3A_0 = arith.muli %arg1, %mul3A : i32
    %add3A = arith.addi %mul3A_0, %arg0 : i32
    %mul3A_1 = arith.constant 128 : i32
    %mul3A_2 = arith.muli %add3A, %mul3A_1 : i32
    "tpu.region"() ({
      %run_scoped3A = tpu.sem_alloc : memref<!tpu.dma_semaphore, #tpu.memory_space<semaphore_mem>>
      %dma_start3A_55 = arith.constant 0 : i32
      %dma_start3A_56 = tpu.memref_slice %arg3[%mul3A_2, %dma_start3A_55] : memref<4096x200xi32, #tpu.memory_space<hbm>> -> memref<128x200xi32, #tpu.memory_space<hbm>>
      %dma_start3A_57 = arith.constant 0 : i32
      %dma_start3A_58 = tpu.memref_slice %arg3[%mul3A_2, %dma_start3A_57] : memref<4096x200xi32, #tpu.memory_space<hbm>> -> memref<128x200xi32, #tpu.memory_space<hbm>>
      tpu.enqueue_dma source(%dma_start3A_58 : memref<128x200xi32, #tpu.memory_space<hbm>>) target(%arg6 : memref<128x200xi32, #tpu.memory_space<vmem>>) target_semaphore(%run_scoped3A : memref<!tpu.dma_semaphore, #tpu.memory_space<semaphore_mem>>)
      %dma_wait3A = arith.constant 0 : i32
      %dma_wait3A_59 = tpu.memref_slice %arg3[%mul3A_2, %dma_wait3A] : memref<4096x200xi32, #tpu.memory_space<hbm>> -> memref<128x200xi32, #tpu.memory_space<hbm>>
      %dma_wait3A_60 = arith.constant 0 : i32
      %dma_wait3A_61 = tpu.memref_slice %arg3[%mul3A_2, %dma_wait3A_60] : memref<4096x200xi32, #tpu.memory_space<hbm>> -> memref<128x200xi32, #tpu.memory_space<hbm>>
      tpu.wait_dma2 semaphore(%run_scoped3A : memref<!tpu.dma_semaphore, #tpu.memory_space<semaphore_mem>>) src(%dma_wait3A_61 : memref<128x200xi32, #tpu.memory_space<hbm>>) dst(%arg6 : memref<128x200xi32, #tpu.memory_space<vmem>>)
      tpu.yield
    }) : () -> ()
    "tpu.region"() ({
      %run_scoped3A = tpu.sem_alloc : memref<!tpu.dma_semaphore, #tpu.memory_space<semaphore_mem>>
      tpu.enqueue_dma source(%arg4 : memref<200x64xf32, #tpu.memory_space<hbm>>) target(%arg7 : memref<200x64xf32, #tpu.memory_space<vmem>>) target_semaphore(%run_scoped3A : memref<!tpu.dma_semaphore, #tpu.memory_space<semaphore_mem>>)
      tpu.wait_dma2 semaphore(%run_scoped3A : memref<!tpu.dma_semaphore, #tpu.memory_space<semaphore_mem>>) src(%arg4 : memref<200x64xf32, #tpu.memory_space<hbm>>) dst(%arg7 : memref<200x64xf32, #tpu.memory_space<vmem>>)
      tpu.yield
    }) : () -> ()
    %dma_start3A = arith.constant 0 : i32
    %dma_start3A_3 = arith.constant 0 : i32
    %dma_start3A_4 = arith.constant 0 : i32
    %dma_start3A_5 = arith.constant 0 : i32
    %dma_start3A_6 = tpu.memref_slice %arg8[%dma_start3A_3, %dma_start3A_4, %dma_start3A_5] : memref<4x200x64xf32, #tpu.memory_space<vmem>> -> memref<1x104x64xf32, #tpu.memory_space<vmem>>
    %dma_start3A_7 = tpu.memref_squeeze %dma_start3A_6 : memref<1x104x64xf32, #tpu.memory_space<vmem>> -> memref<104x64xf32, #tpu.memory_space<vmem>>
    %dma_start3A_8 = arith.constant 0 : i32
    %dma_start3A_9 = tpu.memref_slice %arg6[%dma_start3A, %dma_start3A_8] : memref<128x200xi32, #tpu.memory_space<vmem>> -> memref<1x104xi32, #tpu.memory_space<vmem>>
    %dma_start3A_10 = tpu.memref_squeeze %dma_start3A_9 : memref<1x104xi32, #tpu.memory_space<vmem>> -> memref<104xi32, #tpu.memory_space<vmem>>
    %dma_start3A_11 = arith.constant 0 : i32
    %dma_start3A_12 = arith.constant 0 : i32
    %dma_start3A_13 = tpu.memref_slice %arg2[%dma_start3A_11, %dma_start3A_12] : memref<1000000x64xf32, #tpu.memory_space<hbm>> -> memref<1000000x64xf32, #tpu.memory_space<hbm>>
    tpu.enqueue_indirect_dma source(%dma_start3A_13 : memref<1000000x64xf32, #tpu.memory_space<hbm>>) target(%dma_start3A_7 : memref<104x64xf32, #tpu.memory_space<vmem>>) offsets(%dma_start3A_10 : memref<104xi32, #tpu.memory_space<vmem>>) semaphore(%arg9 : memref<!tpu.dma_semaphore, #tpu.memory_space<semaphore_mem>>)
    %dma_start3A_14 = arith.constant 0 : i32
    %dma_start3A_15 = arith.constant 0 : i32
    %dma_start3A_16 = arith.constant 104 : i32
    %dma_start3A_17 = arith.constant 0 : i32
    %dma_start3A_18 = tpu.memref_slice %arg8[%dma_start3A_15, %dma_start3A_16, %dma_start3A_17] : memref<4x200x64xf32, #tpu.memory_space<vmem>> -> memref<1x96x64xf32, #tpu.memory_space<vmem>>
    %dma_start3A_19 = tpu.memref_squeeze %dma_start3A_18 : memref<1x96x64xf32, #tpu.memory_space<vmem>> -> memref<96x64xf32, #tpu.memory_space<vmem>>
    %dma_start3A_20 = arith.constant 104 : i32
    %dma_start3A_21 = tpu.memref_slice %arg6[%dma_start3A_14, %dma_start3A_20] : memref<128x200xi32, #tpu.memory_space<vmem>> -> memref<1x96xi32, #tpu.memory_space<vmem>>
    %dma_start3A_22 = tpu.memref_squeeze %dma_start3A_21 : memref<1x96xi32, #tpu.memory_space<vmem>> -> memref<96xi32, #tpu.memory_space<vmem>>
    %dma_start3A_23 = arith.constant 0 : i32
    %dma_start3A_24 = arith.constant 0 : i32
    %dma_start3A_25 = tpu.memref_slice %arg2[%dma_start3A_23, %dma_start3A_24] : memref<1000000x64xf32, #tpu.memory_space<hbm>> -> memref<1000000x64xf32, #tpu.memory_space<hbm>>
    tpu.enqueue_indirect_dma source(%dma_start3A_25 : memref<1000000x64xf32, #tpu.memory_space<hbm>>) target(%dma_start3A_19 : memref<96x64xf32, #tpu.memory_space<vmem>>) offsets(%dma_start3A_22 : memref<96xi32, #tpu.memory_space<vmem>>) semaphore(%arg9 : memref<!tpu.dma_semaphore, #tpu.memory_space<semaphore_mem>>)
    %dma_start3A_26 = arith.constant 1 : i32
    %dma_start3A_27 = arith.constant 1 : i32
    %dma_start3A_28 = arith.constant 0 : i32
    %dma_start3A_29 = arith.constant 0 : i32
    %dma_start3A_30 = tpu.memref_slice %arg8[%dma_start3A_27, %dma_start3A_28, %dma_start3A_29] : memref<4x200x64xf32, #tpu.memory_space<vmem>> -> memref<1x104x64xf32, #tpu.memory_space<vmem>>
    %dma_start3A_31 = tpu.memref_squeeze %dma_start3A_30 : memref<1x104x64xf32, #tpu.memory_space<vmem>> -> memref<104x64xf32, #tpu.memory_space<vmem>>
    %dma_start3A_32 = arith.constant 0 : i32
    %dma_start3A_33 = tpu.memref_slice %arg6[%dma_start3A_26, %dma_start3A_32] : memref<128x200xi32, #tpu.memory_space<vmem>> -> memref<1x104xi32, #tpu.memory_space<vmem>>
    %dma_start3A_34 = tpu.memref_squeeze %dma_start3A_33 : memref<1x104xi32, #tpu.memory_space<vmem>> -> memref<104xi32, #tpu.memory_space<vmem>>
    %dma_start3A_35 = arith.constant 0 : i32
    %dma_start3A_36 = arith.constant 0 : i32
    %dma_start3A_37 = tpu.memref_slice %arg2[%dma_start3A_35, %dma_start3A_36] : memref<1000000x64xf32, #tpu.memory_space<hbm>> -> memref<1000000x64xf32, #tpu.memory_space<hbm>>
    tpu.enqueue_indirect_dma source(%dma_start3A_37 : memref<1000000x64xf32, #tpu.memory_space<hbm>>) target(%dma_start3A_31 : memref<104x64xf32, #tpu.memory_space<vmem>>) offsets(%dma_start3A_34 : memref<104xi32, #tpu.memory_space<vmem>>) semaphore(%arg10 : memref<!tpu.dma_semaphore, #tpu.memory_space<semaphore_mem>>)
    %dma_start3A_38 = arith.constant 1 : i32
    %dma_start3A_39 = arith.constant 1 : i32
    %dma_start3A_40 = arith.constant 104 : i32
    %dma_start3A_41 = arith.constant 0 : i32
    %dma_start3A_42 = tpu.memref_slice %arg8[%dma_start3A_39, %dma_start3A_40, %dma_start3A_41] : memref<4x200x64xf32, #tpu.memory_space<vmem>> -> memref<1x96x64xf32, #tpu.memory_space<vmem>>
    %dma_start3A_43 = tpu.memref_squeeze %dma_start3A_42 : memref<1x96x64xf32, #tpu.memory_space<vmem>> -> memref<96x64xf32, #tpu.memory_space<vmem>>
    %dma_start3A_44 = arith.constant 104 : i32
    %dma_start3A_45 = tpu.memref_slice %arg6[%dma_start3A_38, %dma_start3A_44] : memref<128x200xi32, #tpu.memory_space<vmem>> -> memref<1x96xi32, #tpu.memory_space<vmem>>
    %dma_start3A_46 = tpu.memref_squeeze %dma_start3A_45 : memref<1x96xi32, #tpu.memory_space<vmem>> -> memref<96xi32, #tpu.memory_space<vmem>>
    %dma_start3A_47 = arith.constant 0 : i32
    %dma_start3A_48 = arith.constant 0 : i32
    %dma_start3A_49 = tpu.memref_slice %arg2[%dma_start3A_47, %dma_start3A_48] : memref<1000000x64xf32, #tpu.memory_space<hbm>> -> memref<1000000x64xf32, #tpu.memory_space<hbm>>
    tpu.enqueue_indirect_dma source(%dma_start3A_49 : memref<1000000x64xf32, #tpu.memory_space<hbm>>) target(%dma_start3A_43 : memref<96x64xf32, #tpu.memory_space<vmem>>) offsets(%dma_start3A_46 : memref<96xi32, #tpu.memory_space<vmem>>) semaphore(%arg10 : memref<!tpu.dma_semaphore, #tpu.memory_space<semaphore_mem>>)
    %scan3A = arith.constant 0 : i32
    %scan3A_50 = arith.constant 0 : i32
    %scan3A_51 = arith.constant 32 : i32
    %scan3A_52 = arith.addi %scan3A_50, %scan3A_51 : i32
    %scan3A_53 = arith.constant 1 : i32
    scf.for %scan3A_55 = %scan3A_50 to %scan3A_52 step %scan3A_53  : i32 {
      %mul3A_56 = arith.constant 4 : i32
      %mul3A_57 = arith.muli %scan3A_55, %mul3A_56 : i32
      %add3A_58 = arith.constant 0 : i32
      %add3A_59 = arith.addi %mul3A_57, %add3A_58 : i32
      %dma_wait3A = arith.constant 0 : i32
      %dma_wait3A_60 = arith.constant 0 : i32
      %dma_wait3A_61 = arith.constant 0 : i32
      %dma_wait3A_62 = tpu.memref_slice %arg8[%dma_wait3A, %dma_wait3A_60, %dma_wait3A_61] : memref<4x200x64xf32, #tpu.memory_space<vmem>> -> memref<1x104x64xf32, #tpu.memory_space<vmem>>
      %dma_wait3A_63 = tpu.memref_squeeze %dma_wait3A_62 : memref<1x104x64xf32, #tpu.memory_space<vmem>> -> memref<104x64xf32, #tpu.memory_space<vmem>>
      %dma_wait3A_64 = arith.constant 0 : i32
      %dma_wait3A_65 = tpu.memref_slice %arg6[%add3A_59, %dma_wait3A_64] : memref<128x200xi32, #tpu.memory_space<vmem>> -> memref<1x104xi32, #tpu.memory_space<vmem>>
      %dma_wait3A_66 = tpu.memref_squeeze %dma_wait3A_65 : memref<1x104xi32, #tpu.memory_space<vmem>> -> memref<104xi32, #tpu.memory_space<vmem>>
      %dma_wait3A_67 = arith.constant 0 : i32
      %dma_wait3A_68 = arith.constant 0 : i32
      %dma_wait3A_69 = tpu.memref_slice %arg2[%dma_wait3A_67, %dma_wait3A_68] : memref<1000000x64xf32, #tpu.memory_space<hbm>> -> memref<1000000x64xf32, #tpu.memory_space<hbm>>
      tpu.wait_indirect_dma semaphore(%arg9 : memref<!tpu.dma_semaphore, #tpu.memory_space<semaphore_mem>>) src(%dma_wait3A_69 : memref<1000000x64xf32, #tpu.memory_space<hbm>>) dst(%dma_wait3A_63 : memref<104x64xf32, #tpu.memory_space<vmem>>)
      %dma_wait3A_70 = arith.constant 0 : i32
      %dma_wait3A_71 = arith.constant 104 : i32
      %dma_wait3A_72 = arith.constant 0 : i32
      %dma_wait3A_73 = tpu.memref_slice %arg8[%dma_wait3A_70, %dma_wait3A_71, %dma_wait3A_72] : memref<4x200x64xf32, #tpu.memory_space<vmem>> -> memref<1x96x64xf32, #tpu.memory_space<vmem>>
      %dma_wait3A_74 = tpu.memref_squeeze %dma_wait3A_73 : memref<1x96x64xf32, #tpu.memory_space<vmem>> -> memref<96x64xf32, #tpu.memory_space<vmem>>
      %dma_wait3A_75 = arith.constant 104 : i32
      %dma_wait3A_76 = tpu.memref_slice %arg6[%add3A_59, %dma_wait3A_75] : memref<128x200xi32, #tpu.memory_space<vmem>> -> memref<1x96xi32, #tpu.memory_space<vmem>>
      %dma_wait3A_77 = tpu.memref_squeeze %dma_wait3A_76 : memref<1x96xi32, #tpu.memory_space<vmem>> -> memref<96xi32, #tpu.memory_space<vmem>>
      %dma_wait3A_78 = arith.constant 0 : i32
      %dma_wait3A_79 = arith.constant 0 : i32
      %dma_wait3A_80 = tpu.memref_slice %arg2[%dma_wait3A_78, %dma_wait3A_79] : memref<1000000x64xf32, #tpu.memory_space<hbm>> -> memref<1000000x64xf32, #tpu.memory_space<hbm>>
      tpu.wait_indirect_dma semaphore(%arg9 : memref<!tpu.dma_semaphore, #tpu.memory_space<semaphore_mem>>) src(%dma_wait3A_80 : memref<1000000x64xf32, #tpu.memory_space<hbm>>) dst(%dma_wait3A_74 : memref<96x64xf32, #tpu.memory_space<vmem>>)
      %add3A_81 = arith.constant 2 : i32
      %add3A_82 = arith.addi %add3A_59, %add3A_81 : i32
      %lt3A = arith.constant 128 : i32
      %lt3A_83 = arith.cmpi slt, %add3A_82, %lt3A : i32
      %convert_element_type3A = arith.extui %lt3A_83 : i1 to i32
      %cond3A = arith.constant 0 : i32
      %cond3A_84 = arith.cmpi ne, %convert_element_type3A, %cond3A : i32
      scf.if %cond3A_84 {
        %add3A_352 = arith.constant 2 : i32
        %add3A_353 = arith.addi %add3A_59, %add3A_352 : i32
        %dma_start3A_354 = arith.constant 2 : i32
        %dma_start3A_355 = arith.constant 0 : i32
        %dma_start3A_356 = arith.constant 0 : i32
        %dma_start3A_357 = tpu.memref_slice %arg8[%dma_start3A_354, %dma_start3A_355, %dma_start3A_356] : memref<4x200x64xf32, #tpu.memory_space<vmem>> -> memref<1x104x64xf32, #tpu.memory_space<vmem>>
        %dma_start3A_358 = tpu.memref_squeeze %dma_start3A_357 : memref<1x104x64xf32, #tpu.memory_space<vmem>> -> memref<104x64xf32, #tpu.memory_space<vmem>>
        %dma_start3A_359 = arith.constant 0 : i32
        %dma_start3A_360 = tpu.memref_slice %arg6[%add3A_353, %dma_start3A_359] : memref<128x200xi32, #tpu.memory_space<vmem>> -> memref<1x104xi32, #tpu.memory_space<vmem>>
        %dma_start3A_361 = tpu.memref_squeeze %dma_start3A_360 : memref<1x104xi32, #tpu.memory_space<vmem>> -> memref<104xi32, #tpu.memory_space<vmem>>
        %dma_start3A_362 = arith.constant 0 : i32
        %dma_start3A_363 = arith.constant 0 : i32
        %dma_start3A_364 = tpu.memref_slice %arg2[%dma_start3A_362, %dma_start3A_363] : memref<1000000x64xf32, #tpu.memory_space<hbm>> -> memref<1000000x64xf32, #tpu.memory_space<hbm>>
        tpu.enqueue_indirect_dma source(%dma_start3A_364 : memref<1000000x64xf32, #tpu.memory_space<hbm>>) target(%dma_start3A_358 : memref<104x64xf32, #tpu.memory_space<vmem>>) offsets(%dma_start3A_361 : memref<104xi32, #tpu.memory_space<vmem>>) semaphore(%arg11 : memref<!tpu.dma_semaphore, #tpu.memory_space<semaphore_mem>>)
        %dma_start3A_365 = arith.constant 2 : i32
        %dma_start3A_366 = arith.constant 104 : i32
        %dma_start3A_367 = arith.constant 0 : i32
        %dma_start3A_368 = tpu.memref_slice %arg8[%dma_start3A_365, %dma_start3A_366, %dma_start3A_367] : memref<4x200x64xf32, #tpu.memory_space<vmem>> -> memref<1x96x64xf32, #tpu.memory_space<vmem>>
        %dma_start3A_369 = tpu.memref_squeeze %dma_start3A_368 : memref<1x96x64xf32, #tpu.memory_space<vmem>> -> memref<96x64xf32, #tpu.memory_space<vmem>>
        %dma_start3A_370 = arith.constant 104 : i32
        %dma_start3A_371 = tpu.memref_slice %arg6[%add3A_353, %dma_start3A_370] : memref<128x200xi32, #tpu.memory_space<vmem>> -> memref<1x96xi32, #tpu.memory_space<vmem>>
        %dma_start3A_372 = tpu.memref_squeeze %dma_start3A_371 : memref<1x96xi32, #tpu.memory_space<vmem>> -> memref<96xi32, #tpu.memory_space<vmem>>
        %dma_start3A_373 = arith.constant 0 : i32
        %dma_start3A_374 = arith.constant 0 : i32
        %dma_start3A_375 = tpu.memref_slice %arg2[%dma_start3A_373, %dma_start3A_374] : memref<1000000x64xf32, #tpu.memory_space<hbm>> -> memref<1000000x64xf32, #tpu.memory_space<hbm>>
        tpu.enqueue_indirect_dma source(%dma_start3A_375 : memref<1000000x64xf32, #tpu.memory_space<hbm>>) target(%dma_start3A_369 : memref<96x64xf32, #tpu.memory_space<vmem>>) offsets(%dma_start3A_372 : memref<96xi32, #tpu.memory_space<vmem>>) semaphore(%arg11 : memref<!tpu.dma_semaphore, #tpu.memory_space<semaphore_mem>>)
      } else {
      }
      %scan3A_85 = arith.constant 0 : i32
      %scan3A_86 = arith.constant 0 : i32
      %scan3A_87 = arith.constant 50 : i32
      %scan3A_88 = arith.addi %scan3A_86, %scan3A_87 : i32
      %scan3A_89 = arith.constant 1 : i32
      scf.for %scan3A_352 = %scan3A_86 to %scan3A_88 step %scan3A_89  : i32 {
        %mul3A_353 = arith.constant 4 : i32
        %mul3A_354 = arith.muli %scan3A_352, %mul3A_353 : i32
        %add3A_355 = arith.constant 0 : i32
        %add3A_356 = arith.addi %mul3A_354, %add3A_355 : i32
        %get3A = arith.index_cast %add3A_356 : i32 to index
        %get3A_357 = arith.constant 0 : index
        %get3A_358 = tpu.vector_load %arg7[%get3A, %get3A_357] {strides = array<i32>} : memref<200x64xf32, #tpu.memory_space<vmem>>, vector<1x16xf32>,
        %get3A_359 = vector.shape_cast %get3A_358 : vector<1x16xf32> to vector<16xf32>
        %swap3A = arith.constant 0 : i32
        %swap3A_360 = arith.index_cast %swap3A : i32 to index
        %swap3A_361 = arith.index_cast %add3A_356 : i32 to index
        %swap3A_362 = arith.constant 0 : index
        %swap3A_363 = tpu.vector_load %arg8[%swap3A_360, %swap3A_361, %swap3A_362] {strides = array<i32>} : memref<4x200x64xf32, #tpu.memory_space<vmem>>, vector<1x1x16xf32>,
        %swap3A_364 = vector.shape_cast %swap3A_363 : vector<1x1x16xf32> to vector<16xf32>
        %swap3A_365 = vector.shape_cast %get3A_359 : vector<16xf32> to vector<1x1x16xf32>
        tpu.vector_store %arg8[%swap3A_360, %swap3A_361, %swap3A_362], %swap3A_365 {add = true, strides = array<i32>} : memref<4x200x64xf32, #tpu.memory_space<vmem>>, vector<1x1x16xf32>,
        %get3A_366 = arith.index_cast %add3A_356 : i32 to index
        %get3A_367 = arith.constant 16 : index
        %get3A_368 = tpu.vector_load %arg7[%get3A_366, %get3A_367] {strides = array<i32>} : memref<200x64xf32, #tpu.memory_space<vmem>>, vector<1x16xf32>,
        %get3A_369 = vector.shape_cast %get3A_368 : vector<1x16xf32> to vector<16xf32>
        %swap3A_370 = arith.constant 0 : i32
        %swap3A_371 = arith.index_cast %swap3A_370 : i32 to index
        %swap3A_372 = arith.index_cast %add3A_356 : i32 to index
        %swap3A_373 = arith.constant 16 : index
        %swap3A_374 = tpu.vector_load %arg8[%swap3A_371, %swap3A_372, %swap3A_373] {strides = array<i32>} : memref<4x200x64xf32, #tpu.memory_space<vmem>>, vector<1x1x16xf32>,
        %swap3A_375 = vector.shape_cast %swap3A_374 : vector<1x1x16xf32> to vector<16xf32>
        %swap3A_376 = vector.shape_cast %get3A_369 : vector<16xf32> to vector<1x1x16xf32>
        tpu.vector_store %arg8[%swap3A_371, %swap3A_372, %swap3A_373], %swap3A_376 {add = true, strides = array<i32>} : memref<4x200x64xf32, #tpu.memory_space<vmem>>, vector<1x1x16xf32>,
        %get3A_377 = arith.index_cast %add3A_356 : i32 to index
        %get3A_378 = arith.constant 32 : index
        %get3A_379 = tpu.vector_load %arg7[%get3A_377, %get3A_378] {strides = array<i32>} : memref<200x64xf32, #tpu.memory_space<vmem>>, vector<1x16xf32>,
        %get3A_380 = vector.shape_cast %get3A_379 : vector<1x16xf32> to vector<16xf32>
        %swap3A_381 = arith.constant 0 : i32
        %swap3A_382 = arith.index_cast %swap3A_381 : i32 to index
        %swap3A_383 = arith.index_cast %add3A_356 : i32 to index
        %swap3A_384 = arith.constant 32 : index
        %swap3A_385 = tpu.vector_load %arg8[%swap3A_382, %swap3A_383, %swap3A_384] {strides = array<i32>} : memref<4x200x64xf32, #tpu.memory_space<vmem>>, vector<1x1x16xf32>,
        %swap3A_386 = vector.shape_cast %swap3A_385 : vector<1x1x16xf32> to vector<16xf32>
        %swap3A_387 = vector.shape_cast %get3A_380 : vector<16xf32> to vector<1x1x16xf32>
        tpu.vector_store %arg8[%swap3A_382, %swap3A_383, %swap3A_384], %swap3A_387 {add = true, strides = array<i32>} : memref<4x200x64xf32, #tpu.memory_space<vmem>>, vector<1x1x16xf32>,
        %get3A_388 = arith.index_cast %add3A_356 : i32 to index
        %get3A_389 = arith.constant 48 : index
        %get3A_390 = tpu.vector_load %arg7[%get3A_388, %get3A_389] {strides = array<i32>} : memref<200x64xf32, #tpu.memory_space<vmem>>, vector<1x16xf32>,
        %get3A_391 = vector.shape_cast %get3A_390 : vector<1x16xf32> to vector<16xf32>
        %swap3A_392 = arith.constant 0 : i32
        %swap3A_393 = arith.index_cast %swap3A_392 : i32 to index
        %swap3A_394 = arith.index_cast %add3A_356 : i32 to index
        %swap3A_395 = arith.constant 48 : index
        %swap3A_396 = tpu.vector_load %arg8[%swap3A_393, %swap3A_394, %swap3A_395] {strides = array<i32>} : memref<4x200x64xf32, #tpu.memory_space<vmem>>, vector<1x1x16xf32>,
        %swap3A_397 = vector.shape_cast %swap3A_396 : vector<1x1x16xf32> to vector<16xf32>
        %swap3A_398 = vector.shape_cast %get3A_391 : vector<16xf32> to vector<1x1x16xf32>
        tpu.vector_store %arg8[%swap3A_393, %swap3A_394, %swap3A_395], %swap3A_398 {add = true, strides = array<i32>} : memref<4x200x64xf32, #tpu.memory_space<vmem>>, vector<1x1x16xf32>,
        %mul3A_399 = arith.constant 4 : i32
        %mul3A_400 = arith.muli %scan3A_352, %mul3A_399 : i32
        %add3A_401 = arith.constant 1 : i32
        %add3A_402 = arith.addi %mul3A_400, %add3A_401 : i32
        %get3A_403 = arith.index_cast %add3A_402 : i32 to index
        %get3A_404 = arith.constant 0 : index
        %get3A_405 = tpu.vector_load %arg7[%get3A_403, %get3A_404] {strides = array<i32>} : memref<200x64xf32, #tpu.memory_space<vmem>>, vector<1x16xf32>,
        %get3A_406 = vector.shape_cast %get3A_405 : vector<1x16xf32> to vector<16xf32>
        %swap3A_407 = arith.constant 0 : i32
        %swap3A_408 = arith.index_cast %swap3A_407 : i32 to index
        %swap3A_409 = arith.index_cast %add3A_402 : i32 to index
        %swap3A_410 = arith.constant 0 : index
        %swap3A_411 = tpu.vector_load %arg8[%swap3A_408, %swap3A_409, %swap3A_410] {strides = array<i32>} : memref<4x200x64xf32, #tpu.memory_space<vmem>>, vector<1x1x16xf32>,
        %swap3A_412 = vector.shape_cast %swap3A_411 : vector<1x1x16xf32> to vector<16xf32>
        %swap3A_413 = vector.shape_cast %get3A_406 : vector<16xf32> to vector<1x1x16xf32>
        tpu.vector_store %arg8[%swap3A_408, %swap3A_409, %swap3A_410], %swap3A_413 {add = true, strides = array<i32>} : memref<4x200x64xf32, #tpu.memory_space<vmem>>, vector<1x1x16xf32>,
        %get3A_414 = arith.index_cast %add3A_402 : i32 to index
        %get3A_415 = arith.constant 16 : index
        %get3A_416 = tpu.vector_load %arg7[%get3A_414, %get3A_415] {strides = array<i32>} : memref<200x64xf32, #tpu.memory_space<vmem>>, vector<1x16xf32>,
        %get3A_417 = vector.shape_cast %get3A_416 : vector<1x16xf32> to vector<16xf32>
        %swap3A_418 = arith.constant 0 : i32
        %swap3A_419 = arith.index_cast %swap3A_418 : i32 to index
        %swap3A_420 = arith.index_cast %add3A_402 : i32 to index
        %swap3A_421 = arith.constant 16 : index
        %swap3A_422 = tpu.vector_load %arg8[%swap3A_419, %swap3A_420, %swap3A_421] {strides = array<i32>} : memref<4x200x64xf32, #tpu.memory_space<vmem>>, vector<1x1x16xf32>,
        %swap3A_423 = vector.shape_cast %swap3A_422 : vector<1x1x16xf32> to vector<16xf32>
        %swap3A_424 = vector.shape_cast %get3A_417 : vector<16xf32> to vector<1x1x16xf32>
        tpu.vector_store %arg8[%swap3A_419, %swap3A_420, %swap3A_421], %swap3A_424 {add = true, strides = array<i32>} : memref<4x200x64xf32, #tpu.memory_space<vmem>>, vector<1x1x16xf32>,
        %get3A_425 = arith.index_cast %add3A_402 : i32 to index
        %get3A_426 = arith.constant 32 : index
        %get3A_427 = tpu.vector_load %arg7[%get3A_425, %get3A_426] {strides = array<i32>} : memref<200x64xf32, #tpu.memory_space<vmem>>, vector<1x16xf32>,
        %get3A_428 = vector.shape_cast %get3A_427 : vector<1x16xf32> to vector<16xf32>
        %swap3A_429 = arith.constant 0 : i32
        %swap3A_430 = arith.index_cast %swap3A_429 : i32 to index
        %swap3A_431 = arith.index_cast %add3A_402 : i32 to index
        %swap3A_432 = arith.constant 32 : index
        %swap3A_433 = tpu.vector_load %arg8[%swap3A_430, %swap3A_431, %swap3A_432] {strides = array<i32>} : memref<4x200x64xf32, #tpu.memory_space<vmem>>, vector<1x1x16xf32>,
        %swap3A_434 = vector.shape_cast %swap3A_433 : vector<1x1x16xf32> to vector<16xf32>
        %swap3A_435 = vector.shape_cast %get3A_428 : vector<16xf32> to vector<1x1x16xf32>
        tpu.vector_store %arg8[%swap3A_430, %swap3A_431, %swap3A_432], %swap3A_435 {add = true, strides = array<i32>} : memref<4x200x64xf32, #tpu.memory_space<vmem>>, vector<1x1x16xf32>,
        %get3A_436 = arith.index_cast %add3A_402 : i32 to index
        %get3A_437 = arith.constant 48 : index
        %get3A_438 = tpu.vector_load %arg7[%get3A_436, %get3A_437] {strides = array<i32>} : memref<200x64xf32, #tpu.memory_space<vmem>>, vector<1x16xf32>,
        %get3A_439 = vector.shape_cast %get3A_438 : vector<1x16xf32> to vector<16xf32>
        %swap3A_440 = arith.constant 0 : i32
        %swap3A_441 = arith.index_cast %swap3A_440 : i32 to index
        %swap3A_442 = arith.index_cast %add3A_402 : i32 to index
        %swap3A_443 = arith.constant 48 : index
        %swap3A_444 = tpu.vector_load %arg8[%swap3A_441, %swap3A_442, %swap3A_443] {strides = array<i32>} : memref<4x200x64xf32, #tpu.memory_space<vmem>>, vector<1x1x16xf32>,
        %swap3A_445 = vector.shape_cast %swap3A_444 : vector<1x1x16xf32> to vector<16xf32>
        %swap3A_446 = vector.shape_cast %get3A_439 : vector<16xf32> to vector<1x1x16xf32>
        tpu.vector_store %arg8[%swap3A_441, %swap3A_442, %swap3A_443], %swap3A_446 {add = true, strides = array<i32>} : memref<4x200x64xf32, #tpu.memory_space<vmem>>, vector<1x1x16xf32>,
        %mul3A_447 = arith.constant 4 : i32
        %mul3A_448 = arith.muli %scan3A_352, %mul3A_447 : i32
        %add3A_449 = arith.constant 2 : i32
        %add3A_450 = arith.addi %mul3A_448, %add3A_449 : i32
        %get3A_451 = arith.index_cast %add3A_450 : i32 to index
        %get3A_452 = arith.constant 0 : index
        %get3A_453 = tpu.vector_load %arg7[%get3A_451, %get3A_452] {strides = array<i32>} : memref<200x64xf32, #tpu.memory_space<vmem>>, vector<1x16xf32>,
        %get3A_454 = vector.shape_cast %get3A_453 : vector<1x16xf32> to vector<16xf32>
        %swap3A_455 = arith.constant 0 : i32
        %swap3A_456 = arith.index_cast %swap3A_455 : i32 to index
        %swap3A_457 = arith.index_cast %add3A_450 : i32 to index
        %swap3A_458 = arith.constant 0 : index
        %swap3A_459 = tpu.vector_load %arg8[%swap3A_456, %swap3A_457, %swap3A_458] {strides = array<i32>} : memref<4x200x64xf32, #tpu.memory_space<vmem>>, vector<1x1x16xf32>,
        %swap3A_460 = vector.shape_cast %swap3A_459 : vector<1x1x16xf32> to vector<16xf32>
        %swap3A_461 = vector.shape_cast %get3A_454 : vector<16xf32> to vector<1x1x16xf32>
        tpu.vector_store %arg8[%swap3A_456, %swap3A_457, %swap3A_458], %swap3A_461 {add = true, strides = array<i32>} : memref<4x200x64xf32, #tpu.memory_space<vmem>>, vector<1x1x16xf32>,
        %get3A_462 = arith.index_cast %add3A_450 : i32 to index
        %get3A_463 = arith.constant 16 : index
        %get3A_464 = tpu.vector_load %arg7[%get3A_462, %get3A_463] {strides = array<i32>} : memref<200x64xf32, #tpu.memory_space<vmem>>, vector<1x16xf32>,
        %get3A_465 = vector.shape_cast %get3A_464 : vector<1x16xf32> to vector<16xf32>
        %swap3A_466 = arith.constant 0 : i32
        %swap3A_467 = arith.index_cast %swap3A_466 : i32 to index
        %swap3A_468 = arith.index_cast %add3A_450 : i32 to index
        %swap3A_469 = arith.constant 16 : index
        %swap3A_470 = tpu.vector_load %arg8[%swap3A_467, %swap3A_468, %swap3A_469] {strides = array<i32>} : memref<4x200x64xf32, #tpu.memory_space<vmem>>, vector<1x1x16xf32>,
        %swap3A_471 = vector.shape_cast %swap3A_470 : vector<1x1x16xf32> to vector<16xf32>
        %swap3A_472 = vector.shape_cast %get3A_465 : vector<16xf32> to vector<1x1x16xf32>
        tpu.vector_store %arg8[%swap3A_467, %swap3A_468, %swap3A_469], %swap3A_472 {add = true, strides = array<i32>} : memref<4x200x64xf32, #tpu.memory_space<vmem>>, vector<1x1x16xf32>,
        %get3A_473 = arith.index_cast %add3A_450 : i32 to index
        %get3A_474 = arith.constant 32 : index
        %get3A_475 = tpu.vector_load %arg7[%get3A_473, %get3A_474] {strides = array<i32>} : memref<200x64xf32, #tpu.memory_space<vmem>>, vector<1x16xf32>,
        %get3A_476 = vector.shape_cast %get3A_475 : vector<1x16xf32> to vector<16xf32>
        %swap3A_477 = arith.constant 0 : i32
        %swap3A_478 = arith.index_cast %swap3A_477 : i32 to index
        %swap3A_479 = arith.index_cast %add3A_450 : i32 to index
        %swap3A_480 = arith.constant 32 : index
        %swap3A_481 = tpu.vector_load %arg8[%swap3A_478, %swap3A_479, %swap3A_480] {strides = array<i32>} : memref<4x200x64xf32, #tpu.memory_space<vmem>>, vector<1x1x16xf32>,
        %swap3A_482 = vector.shape_cast %swap3A_481 : vector<1x1x16xf32> to vector<16xf32>
        %swap3A_483 = vector.shape_cast %get3A_476 : vector<16xf32> to vector<1x1x16xf32>
        tpu.vector_store %arg8[%swap3A_478, %swap3A_479, %swap3A_480], %swap3A_483 {add = true, strides = array<i32>} : memref<4x200x64xf32, #tpu.memory_space<vmem>>, vector<1x1x16xf32>,
        %get3A_484 = arith.index_cast %add3A_450 : i32 to index
        %get3A_485 = arith.constant 48 : index
        %get3A_486 = tpu.vector_load %arg7[%get3A_484, %get3A_485] {strides = array<i32>} : memref<200x64xf32, #tpu.memory_space<vmem>>, vector<1x16xf32>,
        %get3A_487 = vector.shape_cast %get3A_486 : vector<1x16xf32> to vector<16xf32>
        %swap3A_488 = arith.constant 0 : i32
        %swap3A_489 = arith.index_cast %swap3A_488 : i32 to index
        %swap3A_490 = arith.index_cast %add3A_450 : i32 to index
        %swap3A_491 = arith.constant 48 : index
        %swap3A_492 = tpu.vector_load %arg8[%swap3A_489, %swap3A_490, %swap3A_491] {strides = array<i32>} : memref<4x200x64xf32, #tpu.memory_space<vmem>>, vector<1x1x16xf32>,
        %swap3A_493 = vector.shape_cast %swap3A_492 : vector<1x1x16xf32> to vector<16xf32>
        %swap3A_494 = vector.shape_cast %get3A_487 : vector<16xf32> to vector<1x1x16xf32>
        tpu.vector_store %arg8[%swap3A_489, %swap3A_490, %swap3A_491], %swap3A_494 {add = true, strides = array<i32>} : memref<4x200x64xf32, #tpu.memory_space<vmem>>, vector<1x1x16xf32>,
        %mul3A_495 = arith.constant 4 : i32
        %mul3A_496 = arith.muli %scan3A_352, %mul3A_495 : i32
        %add3A_497 = arith.constant 3 : i32
        %add3A_498 = arith.addi %mul3A_496, %add3A_497 : i32
        %get3A_499 = arith.index_cast %add3A_498 : i32 to index
        %get3A_500 = arith.constant 0 : index
        %get3A_501 = tpu.vector_load %arg7[%get3A_499, %get3A_500] {strides = array<i32>} : memref<200x64xf32, #tpu.memory_space<vmem>>, vector<1x16xf32>,
        %get3A_502 = vector.shape_cast %get3A_501 : vector<1x16xf32> to vector<16xf32>
        %swap3A_503 = arith.constant 0 : i32
        %swap3A_504 = arith.index_cast %swap3A_503 : i32 to index
        %swap3A_505 = arith.index_cast %add3A_498 : i32 to index
        %swap3A_506 = arith.constant 0 : index
        %swap3A_507 = tpu.vector_load %arg8[%swap3A_504, %swap3A_505, %swap3A_506] {strides = array<i32>} : memref<4x200x64xf32, #tpu.memory_space<vmem>>, vector<1x1x16xf32>,
        %swap3A_508 = vector.shape_cast %swap3A_507 : vector<1x1x16xf32> to vector<16xf32>
        %swap3A_509 = vector.shape_cast %get3A_502 : vector<16xf32> to vector<1x1x16xf32>
        tpu.vector_store %arg8[%swap3A_504, %swap3A_505, %swap3A_506], %swap3A_509 {add = true, strides = array<i32>} : memref<4x200x64xf32, #tpu.memory_space<vmem>>, vector<1x1x16xf32>,
        %get3A_510 = arith.index_cast %add3A_498 : i32 to index
        %get3A_511 = arith.constant 16 : index
        %get3A_512 = tpu.vector_load %arg7[%get3A_510, %get3A_511] {strides = array<i32>} : memref<200x64xf32, #tpu.memory_space<vmem>>, vector<1x16xf32>,
        %get3A_513 = vector.shape_cast %get3A_512 : vector<1x16xf32> to vector<16xf32>
        %swap3A_514 = arith.constant 0 : i32
        %swap3A_515 = arith.index_cast %swap3A_514 : i32 to index
        %swap3A_516 = arith.index_cast %add3A_498 : i32 to index
        %swap3A_517 = arith.constant 16 : index
        %swap3A_518 = tpu.vector_load %arg8[%swap3A_515, %swap3A_516, %swap3A_517] {strides = array<i32>} : memref<4x200x64xf32, #tpu.memory_space<vmem>>, vector<1x1x16xf32>,
        %swap3A_519 = vector.shape_cast %swap3A_518 : vector<1x1x16xf32> to vector<16xf32>
        %swap3A_520 = vector.shape_cast %get3A_513 : vector<16xf32> to vector<1x1x16xf32>
        tpu.vector_store %arg8[%swap3A_515, %swap3A_516, %swap3A_517], %swap3A_520 {add = true, strides = array<i32>} : memref<4x200x64xf32, #tpu.memory_space<vmem>>, vector<1x1x16xf32>,
        %get3A_521 = arith.index_cast %add3A_498 : i32 to index
        %get3A_522 = arith.constant 32 : index
        %get3A_523 = tpu.vector_load %arg7[%get3A_521, %get3A_522] {strides = array<i32>} : memref<200x64xf32, #tpu.memory_space<vmem>>, vector<1x16xf32>,
        %get3A_524 = vector.shape_cast %get3A_523 : vector<1x16xf32> to vector<16xf32>
        %swap3A_525 = arith.constant 0 : i32
        %swap3A_526 = arith.index_cast %swap3A_525 : i32 to index
        %swap3A_527 = arith.index_cast %add3A_498 : i32 to index
        %swap3A_528 = arith.constant 32 : index
        %swap3A_529 = tpu.vector_load %arg8[%swap3A_526, %swap3A_527, %swap3A_528] {strides = array<i32>} : memref<4x200x64xf32, #tpu.memory_space<vmem>>, vector<1x1x16xf32>,
        %swap3A_530 = vector.shape_cast %swap3A_529 : vector<1x1x16xf32> to vector<16xf32>
        %swap3A_531 = vector.shape_cast %get3A_524 : vector<16xf32> to vector<1x1x16xf32>
        tpu.vector_store %arg8[%swap3A_526, %swap3A_527, %swap3A_528], %swap3A_531 {add = true, strides = array<i32>} : memref<4x200x64xf32, #tpu.memory_space<vmem>>, vector<1x1x16xf32>,
        %get3A_532 = arith.index_cast %add3A_498 : i32 to index
        %get3A_533 = arith.constant 48 : index
        %get3A_534 = tpu.vector_load %arg7[%get3A_532, %get3A_533] {strides = array<i32>} : memref<200x64xf32, #tpu.memory_space<vmem>>, vector<1x16xf32>,
        %get3A_535 = vector.shape_cast %get3A_534 : vector<1x16xf32> to vector<16xf32>
        %swap3A_536 = arith.constant 0 : i32
        %swap3A_537 = arith.index_cast %swap3A_536 : i32 to index
        %swap3A_538 = arith.index_cast %add3A_498 : i32 to index
        %swap3A_539 = arith.constant 48 : index
        %swap3A_540 = tpu.vector_load %arg8[%swap3A_537, %swap3A_538, %swap3A_539] {strides = array<i32>} : memref<4x200x64xf32, #tpu.memory_space<vmem>>, vector<1x1x16xf32>,
        %swap3A_541 = vector.shape_cast %swap3A_540 : vector<1x1x16xf32> to vector<16xf32>
        %swap3A_542 = vector.shape_cast %get3A_535 : vector<16xf32> to vector<1x1x16xf32>
        tpu.vector_store %arg8[%swap3A_537, %swap3A_538, %swap3A_539], %swap3A_542 {add = true, strides = array<i32>} : memref<4x200x64xf32, #tpu.memory_space<vmem>>, vector<1x1x16xf32>,
      }
      %scan3A_90 = arith.constant 50 : i32
      %add3A_91 = arith.addi %mul3A_2, %add3A_59 : i32
      %dma_start3A_92 = arith.constant 0 : i32
      %dma_start3A_93 = arith.constant 0 : i32
      %dma_start3A_94 = arith.constant 0 : i32
      %dma_start3A_95 = tpu.memref_slice %arg8[%dma_start3A_92, %dma_start3A_93, %dma_start3A_94] : memref<4x200x64xf32, #tpu.memory_space<vmem>> -> memref<1x200x64xf32, #tpu.memory_space<vmem>>
      %dma_start3A_96 = tpu.memref_squeeze %dma_start3A_95 : memref<1x200x64xf32, #tpu.memory_space<vmem>> -> memref<200x64xf32, #tpu.memory_space<vmem>>
      %dma_start3A_97 = arith.constant 0 : i32
      %dma_start3A_98 = arith.constant 0 : i32
      %dma_start3A_99 = tpu.memref_slice %arg5[%add3A_91, %dma_start3A_97, %dma_start3A_98] : memref<4096x200x64xf32, #tpu.memory_space<hbm>> -> memref<1x200x64xf32, #tpu.memory_space<hbm>>
      %dma_start3A_100 = tpu.memref_squeeze %dma_start3A_99 : memref<1x200x64xf32, #tpu.memory_space<hbm>> -> memref<200x64xf32, #tpu.memory_space<hbm>>
      %dma_start3A_101 = arith.constant 0 : i32
      %dma_start3A_102 = arith.constant 0 : i32
      %dma_start3A_103 = tpu.memref_slice %arg5[%add3A_91, %dma_start3A_101, %dma_start3A_102] : memref<4096x200x64xf32, #tpu.memory_space<hbm>> -> memref<1x200x64xf32, #tpu.memory_space<hbm>>
      %dma_start3A_104 = tpu.memref_squeeze %dma_start3A_103 : memref<1x200x64xf32, #tpu.memory_space<hbm>> -> memref<200x64xf32, #tpu.memory_space<hbm>>
      %dma_start3A_105 = arith.constant 0 : i32
      %dma_start3A_106 = arith.constant 0 : i32
      %dma_start3A_107 = tpu.memref_slice %arg8[%dma_start3A_92, %dma_start3A_105, %dma_start3A_106] : memref<4x200x64xf32, #tpu.memory_space<vmem>> -> memref<1x200x64xf32, #tpu.memory_space<vmem>>
      %dma_start3A_108 = tpu.memref_squeeze %dma_start3A_107 : memref<1x200x64xf32, #tpu.memory_space<vmem>> -> memref<200x64xf32, #tpu.memory_space<vmem>>
      tpu.enqueue_dma source(%dma_start3A_108 : memref<200x64xf32, #tpu.memory_space<vmem>>) target(%dma_start3A_104 : memref<200x64xf32, #tpu.memory_space<hbm>>) target_semaphore(%arg13 : memref<!tpu.dma_semaphore, #tpu.memory_space<semaphore_mem>>)
      %add3A_109 = arith.addi %mul3A_2, %add3A_59 : i32
      %dma_wait3A_110 = arith.constant 0 : i32
      %dma_wait3A_111 = arith.constant 0 : i32
      %dma_wait3A_112 = arith.constant 0 : i32
      %dma_wait3A_113 = tpu.memref_slice %arg8[%dma_wait3A_110, %dma_wait3A_111, %dma_wait3A_112] : memref<4x200x64xf32, #tpu.memory_space<vmem>> -> memref<1x200x64xf32, #tpu.memory_space<vmem>>
      %dma_wait3A_114 = tpu.memref_squeeze %dma_wait3A_113 : memref<1x200x64xf32, #tpu.memory_space<vmem>> -> memref<200x64xf32, #tpu.memory_space<vmem>>
      %dma_wait3A_115 = arith.constant 0 : i32
      %dma_wait3A_116 = arith.constant 0 : i32
      %dma_wait3A_117 = tpu.memref_slice %arg5[%add3A_109, %dma_wait3A_115, %dma_wait3A_116] : memref<4096x200x64xf32, #tpu.memory_space<hbm>> -> memref<1x200x64xf32, #tpu.memory_space<hbm>>
      %dma_wait3A_118 = tpu.memref_squeeze %dma_wait3A_117 : memref<1x200x64xf32, #tpu.memory_space<hbm>> -> memref<200x64xf32, #tpu.memory_space<hbm>>
      %dma_wait3A_119 = arith.constant 0 : i32
      %dma_wait3A_120 = arith.constant 0 : i32
      %dma_wait3A_121 = tpu.memref_slice %arg5[%add3A_109, %dma_wait3A_119, %dma_wait3A_120] : memref<4096x200x64xf32, #tpu.memory_space<hbm>> -> memref<1x200x64xf32, #tpu.memory_space<hbm>>
      %dma_wait3A_122 = tpu.memref_squeeze %dma_wait3A_121 : memref<1x200x64xf32, #tpu.memory_space<hbm>> -> memref<200x64xf32, #tpu.memory_space<hbm>>
      %dma_wait3A_123 = arith.constant 0 : i32
      %dma_wait3A_124 = arith.constant 0 : i32
      %dma_wait3A_125 = tpu.memref_slice %arg8[%dma_wait3A_110, %dma_wait3A_123, %dma_wait3A_124] : memref<4x200x64xf32, #tpu.memory_space<vmem>> -> memref<1x200x64xf32, #tpu.memory_space<vmem>>
      %dma_wait3A_126 = tpu.memref_squeeze %dma_wait3A_125 : memref<1x200x64xf32, #tpu.memory_space<vmem>> -> memref<200x64xf32, #tpu.memory_space<vmem>>
      tpu.wait_dma2 semaphore(%arg13 : memref<!tpu.dma_semaphore, #tpu.memory_space<semaphore_mem>>) src(%dma_wait3A_126 : memref<200x64xf32, #tpu.memory_space<vmem>>) dst(%dma_wait3A_122 : memref<200x64xf32, #tpu.memory_space<hbm>>)
      %mul3A_127 = arith.constant 4 : i32
      %mul3A_128 = arith.muli %scan3A_55, %mul3A_127 : i32
      %add3A_129 = arith.constant 1 : i32
      %add3A_130 = arith.addi %mul3A_128, %add3A_129 : i32
      %dma_wait3A_131 = arith.constant 1 : i32
      %dma_wait3A_132 = arith.constant 0 : i32
      %dma_wait3A_133 = arith.constant 0 : i32
      %dma_wait3A_134 = tpu.memref_slice %arg8[%dma_wait3A_131, %dma_wait3A_132, %dma_wait3A_133] : memref<4x200x64xf32, #tpu.memory_space<vmem>> -> memref<1x104x64xf32, #tpu.memory_space<vmem>>
      %dma_wait3A_135 = tpu.memref_squeeze %dma_wait3A_134 : memref<1x104x64xf32, #tpu.memory_space<vmem>> -> memref<104x64xf32, #tpu.memory_space<vmem>>
      %dma_wait3A_136 = arith.constant 0 : i32
      %dma_wait3A_137 = tpu.memref_slice %arg6[%add3A_130, %dma_wait3A_136] : memref<128x200xi32, #tpu.memory_space<vmem>> -> memref<1x104xi32, #tpu.memory_space<vmem>>
      %dma_wait3A_138 = tpu.memref_squeeze %dma_wait3A_137 : memref<1x104xi32, #tpu.memory_space<vmem>> -> memref<104xi32, #tpu.memory_space<vmem>>
      %dma_wait3A_139 = arith.constant 0 : i32
      %dma_wait3A_140 = arith.constant 0 : i32
      %dma_wait3A_141 = tpu.memref_slice %arg2[%dma_wait3A_139, %dma_wait3A_140] : memref<1000000x64xf32, #tpu.memory_space<hbm>> -> memref<1000000x64xf32, #tpu.memory_space<hbm>>
      tpu.wait_indirect_dma semaphore(%arg10 : memref<!tpu.dma_semaphore, #tpu.memory_space<semaphore_mem>>) src(%dma_wait3A_141 : memref<1000000x64xf32, #tpu.memory_space<hbm>>) dst(%dma_wait3A_135 : memref<104x64xf32, #tpu.memory_space<vmem>>)
      %dma_wait3A_142 = arith.constant 1 : i32
      %dma_wait3A_143 = arith.constant 104 : i32
      %dma_wait3A_144 = arith.constant 0 : i32
      %dma_wait3A_145 = tpu.memref_slice %arg8[%dma_wait3A_142, %dma_wait3A_143, %dma_wait3A_144] : memref<4x200x64xf32, #tpu.memory_space<vmem>> -> memref<1x96x64xf32, #tpu.memory_space<vmem>>
      %dma_wait3A_146 = tpu.memref_squeeze %dma_wait3A_145 : memref<1x96x64xf32, #tpu.memory_space<vmem>> -> memref<96x64xf32, #tpu.memory_space<vmem>>
      %dma_wait3A_147 = arith.constant 104 : i32
      %dma_wait3A_148 = tpu.memref_slice %arg6[%add3A_130, %dma_wait3A_147] : memref<128x200xi32, #tpu.memory_space<vmem>> -> memref<1x96xi32, #tpu.memory_space<vmem>>
      %dma_wait3A_149 = tpu.memref_squeeze %dma_wait3A_148 : memref<1x96xi32, #tpu.memory_space<vmem>> -> memref<96xi32, #tpu.memory_space<vmem>>
      %dma_wait3A_150 = arith.constant 0 : i32
      %dma_wait3A_151 = arith.constant 0 : i32
      %dma_wait3A_152 = tpu.memref_slice %arg2[%dma_wait3A_150, %dma_wait3A_151] : memref<1000000x64xf32, #tpu.memory_space<hbm>> -> memref<1000000x64xf32, #tpu.memory_space<hbm>>
      tpu.wait_indirect_dma semaphore(%arg10 : memref<!tpu.dma_semaphore, #tpu.memory_space<semaphore_mem>>) src(%dma_wait3A_152 : memref<1000000x64xf32, #tpu.memory_space<hbm>>) dst(%dma_wait3A_146 : memref<96x64xf32, #tpu.memory_space<vmem>>)
      %add3A_153 = arith.constant 2 : i32
      %add3A_154 = arith.addi %add3A_130, %add3A_153 : i32
      %lt3A_155 = arith.constant 128 : i32
      %lt3A_156 = arith.cmpi slt, %add3A_154, %lt3A_155 : i32
      %convert_element_type3A_157 = arith.extui %lt3A_156 : i1 to i32
      %cond3A_158 = arith.constant 0 : i32
      %cond3A_159 = arith.cmpi ne, %convert_element_type3A_157, %cond3A_158 : i32
      scf.if %cond3A_159 {
        %add3A_352 = arith.constant 2 : i32
        %add3A_353 = arith.addi %add3A_130, %add3A_352 : i32
        %dma_start3A_354 = arith.constant 3 : i32
        %dma_start3A_355 = arith.constant 0 : i32
        %dma_start3A_356 = arith.constant 0 : i32
        %dma_start3A_357 = tpu.memref_slice %arg8[%dma_start3A_354, %dma_start3A_355, %dma_start3A_356] : memref<4x200x64xf32, #tpu.memory_space<vmem>> -> memref<1x104x64xf32, #tpu.memory_space<vmem>>
        %dma_start3A_358 = tpu.memref_squeeze %dma_start3A_357 : memref<1x104x64xf32, #tpu.memory_space<vmem>> -> memref<104x64xf32, #tpu.memory_space<vmem>>
        %dma_start3A_359 = arith.constant 0 : i32
        %dma_start3A_360 = tpu.memref_slice %arg6[%add3A_353, %dma_start3A_359] : memref<128x200xi32, #tpu.memory_space<vmem>> -> memref<1x104xi32, #tpu.memory_space<vmem>>
        %dma_start3A_361 = tpu.memref_squeeze %dma_start3A_360 : memref<1x104xi32, #tpu.memory_space<vmem>> -> memref<104xi32, #tpu.memory_space<vmem>>
        %dma_start3A_362 = arith.constant 0 : i32
        %dma_start3A_363 = arith.constant 0 : i32
        %dma_start3A_364 = tpu.memref_slice %arg2[%dma_start3A_362, %dma_start3A_363] : memref<1000000x64xf32, #tpu.memory_space<hbm>> -> memref<1000000x64xf32, #tpu.memory_space<hbm>>
        tpu.enqueue_indirect_dma source(%dma_start3A_364 : memref<1000000x64xf32, #tpu.memory_space<hbm>>) target(%dma_start3A_358 : memref<104x64xf32, #tpu.memory_space<vmem>>) offsets(%dma_start3A_361 : memref<104xi32, #tpu.memory_space<vmem>>) semaphore(%arg12 : memref<!tpu.dma_semaphore, #tpu.memory_space<semaphore_mem>>)
        %dma_start3A_365 = arith.constant 3 : i32
        %dma_start3A_366 = arith.constant 104 : i32
        %dma_start3A_367 = arith.constant 0 : i32
        %dma_start3A_368 = tpu.memref_slice %arg8[%dma_start3A_365, %dma_start3A_366, %dma_start3A_367] : memref<4x200x64xf32, #tpu.memory_space<vmem>> -> memref<1x96x64xf32, #tpu.memory_space<vmem>>
        %dma_start3A_369 = tpu.memref_squeeze %dma_start3A_368 : memref<1x96x64xf32, #tpu.memory_space<vmem>> -> memref<96x64xf32, #tpu.memory_space<vmem>>
        %dma_start3A_370 = arith.constant 104 : i32
        %dma_start3A_371 = tpu.memref_slice %arg6[%add3A_353, %dma_start3A_370] : memref<128x200xi32, #tpu.memory_space<vmem>> -> memref<1x96xi32, #tpu.memory_space<vmem>>
        %dma_start3A_372 = tpu.memref_squeeze %dma_start3A_371 : memref<1x96xi32, #tpu.memory_space<vmem>> -> memref<96xi32, #tpu.memory_space<vmem>>
        %dma_start3A_373 = arith.constant 0 : i32
        %dma_start3A_374 = arith.constant 0 : i32
        %dma_start3A_375 = tpu.memref_slice %arg2[%dma_start3A_373, %dma_start3A_374] : memref<1000000x64xf32, #tpu.memory_space<hbm>> -> memref<1000000x64xf32, #tpu.memory_space<hbm>>
        tpu.enqueue_indirect_dma source(%dma_start3A_375 : memref<1000000x64xf32, #tpu.memory_space<hbm>>) target(%dma_start3A_369 : memref<96x64xf32, #tpu.memory_space<vmem>>) offsets(%dma_start3A_372 : memref<96xi32, #tpu.memory_space<vmem>>) semaphore(%arg12 : memref<!tpu.dma_semaphore, #tpu.memory_space<semaphore_mem>>)
      } else {
      }
      %scan3A_160 = arith.constant 0 : i32
      %scan3A_161 = arith.constant 0 : i32
      %scan3A_162 = arith.constant 50 : i32
      %scan3A_163 = arith.addi %scan3A_161, %scan3A_162 : i32
      %scan3A_164 = arith.constant 1 : i32
      scf.for %scan3A_352 = %scan3A_161 to %scan3A_163 step %scan3A_164  : i32 {
        %mul3A_353 = arith.constant 4 : i32
        %mul3A_354 = arith.muli %scan3A_352, %mul3A_353 : i32
        %add3A_355 = arith.constant 0 : i32
        %add3A_356 = arith.addi %mul3A_354, %add3A_355 : i32
        %get3A = arith.index_cast %add3A_356 : i32 to index
        %get3A_357 = arith.constant 0 : index
        %get3A_358 = tpu.vector_load %arg7[%get3A, %get3A_357] {strides = array<i32>} : memref<200x64xf32, #tpu.memory_space<vmem>>, vector<1x16xf32>,
        %get3A_359 = vector.shape_cast %get3A_358 : vector<1x16xf32> to vector<16xf32>
        %swap3A = arith.constant 1 : i32
        %swap3A_360 = arith.index_cast %swap3A : i32 to index
        %swap3A_361 = arith.index_cast %add3A_356 : i32 to index
        %swap3A_362 = arith.constant 0 : index
        %swap3A_363 = tpu.vector_load %arg8[%swap3A_360, %swap3A_361, %swap3A_362] {strides = array<i32>} : memref<4x200x64xf32, #tpu.memory_space<vmem>>, vector<1x1x16xf32>,
        %swap3A_364 = vector.shape_cast %swap3A_363 : vector<1x1x16xf32> to vector<16xf32>
        %swap3A_365 = vector.shape_cast %get3A_359 : vector<16xf32> to vector<1x1x16xf32>
        tpu.vector_store %arg8[%swap3A_360, %swap3A_361, %swap3A_362], %swap3A_365 {add = true, strides = array<i32>} : memref<4x200x64xf32, #tpu.memory_space<vmem>>, vector<1x1x16xf32>,
        %get3A_366 = arith.index_cast %add3A_356 : i32 to index
        %get3A_367 = arith.constant 16 : index
        %get3A_368 = tpu.vector_load %arg7[%get3A_366, %get3A_367] {strides = array<i32>} : memref<200x64xf32, #tpu.memory_space<vmem>>, vector<1x16xf32>,
        %get3A_369 = vector.shape_cast %get3A_368 : vector<1x16xf32> to vector<16xf32>
        %swap3A_370 = arith.constant 1 : i32
        %swap3A_371 = arith.index_cast %swap3A_370 : i32 to index
        %swap3A_372 = arith.index_cast %add3A_356 : i32 to index
        %swap3A_373 = arith.constant 16 : index
        %swap3A_374 = tpu.vector_load %arg8[%swap3A_371, %swap3A_372, %swap3A_373] {strides = array<i32>} : memref<4x200x64xf32, #tpu.memory_space<vmem>>, vector<1x1x16xf32>,
        %swap3A_375 = vector.shape_cast %swap3A_374 : vector<1x1x16xf32> to vector<16xf32>
        %swap3A_376 = vector.shape_cast %get3A_369 : vector<16xf32> to vector<1x1x16xf32>
        tpu.vector_store %arg8[%swap3A_371, %swap3A_372, %swap3A_373], %swap3A_376 {add = true, strides = array<i32>} : memref<4x200x64xf32, #tpu.memory_space<vmem>>, vector<1x1x16xf32>,
        %get3A_377 = arith.index_cast %add3A_356 : i32 to index
        %get3A_378 = arith.constant 32 : index
        %get3A_379 = tpu.vector_load %arg7[%get3A_377, %get3A_378] {strides = array<i32>} : memref<200x64xf32, #tpu.memory_space<vmem>>, vector<1x16xf32>,
        %get3A_380 = vector.shape_cast %get3A_379 : vector<1x16xf32> to vector<16xf32>
        %swap3A_381 = arith.constant 1 : i32
        %swap3A_382 = arith.index_cast %swap3A_381 : i32 to index
        %swap3A_383 = arith.index_cast %add3A_356 : i32 to index
        %swap3A_384 = arith.constant 32 : index
        %swap3A_385 = tpu.vector_load %arg8[%swap3A_382, %swap3A_383, %swap3A_384] {strides = array<i32>} : memref<4x200x64xf32, #tpu.memory_space<vmem>>, vector<1x1x16xf32>,
        %swap3A_386 = vector.shape_cast %swap3A_385 : vector<1x1x16xf32> to vector<16xf32>
        %swap3A_387 = vector.shape_cast %get3A_380 : vector<16xf32> to vector<1x1x16xf32>
        tpu.vector_store %arg8[%swap3A_382, %swap3A_383, %swap3A_384], %swap3A_387 {add = true, strides = array<i32>} : memref<4x200x64xf32, #tpu.memory_space<vmem>>, vector<1x1x16xf32>,
        %get3A_388 = arith.index_cast %add3A_356 : i32 to index
        %get3A_389 = arith.constant 48 : index
        %get3A_390 = tpu.vector_load %arg7[%get3A_388, %get3A_389] {strides = array<i32>} : memref<200x64xf32, #tpu.memory_space<vmem>>, vector<1x16xf32>,
        %get3A_391 = vector.shape_cast %get3A_390 : vector<1x16xf32> to vector<16xf32>
        %swap3A_392 = arith.constant 1 : i32
        %swap3A_393 = arith.index_cast %swap3A_392 : i32 to index
        %swap3A_394 = arith.index_cast %add3A_356 : i32 to index
        %swap3A_395 = arith.constant 48 : index
        %swap3A_396 = tpu.vector_load %arg8[%swap3A_393, %swap3A_394, %swap3A_395] {strides = array<i32>} : memref<4x200x64xf32, #tpu.memory_space<vmem>>, vector<1x1x16xf32>,
        %swap3A_397 = vector.shape_cast %swap3A_396 : vector<1x1x16xf32> to vector<16xf32>
        %swap3A_398 = vector.shape_cast %get3A_391 : vector<16xf32> to vector<1x1x16xf32>
        tpu.vector_store %arg8[%swap3A_393, %swap3A_394, %swap3A_395], %swap3A_398 {add = true, strides = array<i32>} : memref<4x200x64xf32, #tpu.memory_space<vmem>>, vector<1x1x16xf32>,
        %mul3A_399 = arith.constant 4 : i32
        %mul3A_400 = arith.muli %scan3A_352, %mul3A_399 : i32
        %add3A_401 = arith.constant 1 : i32
        %add3A_402 = arith.addi %mul3A_400, %add3A_401 : i32
        %get3A_403 = arith.index_cast %add3A_402 : i32 to index
        %get3A_404 = arith.constant 0 : index
        %get3A_405 = tpu.vector_load %arg7[%get3A_403, %get3A_404] {strides = array<i32>} : memref<200x64xf32, #tpu.memory_space<vmem>>, vector<1x16xf32>,
        %get3A_406 = vector.shape_cast %get3A_405 : vector<1x16xf32> to vector<16xf32>
        %swap3A_407 = arith.constant 1 : i32
        %swap3A_408 = arith.index_cast %swap3A_407 : i32 to index
        %swap3A_409 = arith.index_cast %add3A_402 : i32 to index
        %swap3A_410 = arith.constant 0 : index
        %swap3A_411 = tpu.vector_load %arg8[%swap3A_408, %swap3A_409, %swap3A_410] {strides = array<i32>} : memref<4x200x64xf32, #tpu.memory_space<vmem>>, vector<1x1x16xf32>,
        %swap3A_412 = vector.shape_cast %swap3A_411 : vector<1x1x16xf32> to vector<16xf32>
        %swap3A_413 = vector.shape_cast %get3A_406 : vector<16xf32> to vector<1x1x16xf32>
        tpu.vector_store %arg8[%swap3A_408, %swap3A_409, %swap3A_410], %swap3A_413 {add = true, strides = array<i32>} : memref<4x200x64xf32, #tpu.memory_space<vmem>>, vector<1x1x16xf32>,
        %get3A_414 = arith.index_cast %add3A_402 : i32 to index
        %get3A_415 = arith.constant 16 : index
        %get3A_416 = tpu.vector_load %arg7[%get3A_414, %get3A_415] {strides = array<i32>} : memref<200x64xf32, #tpu.memory_space<vmem>>, vector<1x16xf32>,
        %get3A_417 = vector.shape_cast %get3A_416 : vector<1x16xf32> to vector<16xf32>
        %swap3A_418 = arith.constant 1 : i32
        %swap3A_419 = arith.index_cast %swap3A_418 : i32 to index
        %swap3A_420 = arith.index_cast %add3A_402 : i32 to index
        %swap3A_421 = arith.constant 16 : index
        %swap3A_422 = tpu.vector_load %arg8[%swap3A_419, %swap3A_420, %swap3A_421] {strides = array<i32>} : memref<4x200x64xf32, #tpu.memory_space<vmem>>, vector<1x1x16xf32>,
        %swap3A_423 = vector.shape_cast %swap3A_422 : vector<1x1x16xf32> to vector<16xf32>
        %swap3A_424 = vector.shape_cast %get3A_417 : vector<16xf32> to vector<1x1x16xf32>
        tpu.vector_store %arg8[%swap3A_419, %swap3A_420, %swap3A_421], %swap3A_424 {add = true, strides = array<i32>} : memref<4x200x64xf32, #tpu.memory_space<vmem>>, vector<1x1x16xf32>,
        %get3A_425 = arith.index_cast %add3A_402 : i32 to index
        %get3A_426 = arith.constant 32 : index
        %get3A_427 = tpu.vector_load %arg7[%get3A_425, %get3A_426] {strides = array<i32>} : memref<200x64xf32, #tpu.memory_space<vmem>>, vector<1x16xf32>,
        %get3A_428 = vector.shape_cast %get3A_427 : vector<1x16xf32> to vector<16xf32>
        %swap3A_429 = arith.constant 1 : i32
        %swap3A_430 = arith.index_cast %swap3A_429 : i32 to index
        %swap3A_431 = arith.index_cast %add3A_402 : i32 to index
        %swap3A_432 = arith.constant 32 : index
        %swap3A_433 = tpu.vector_load %arg8[%swap3A_430, %swap3A_431, %swap3A_432] {strides = array<i32>} : memref<4x200x64xf32, #tpu.memory_space<vmem>>, vector<1x1x16xf32>,
        %swap3A_434 = vector.shape_cast %swap3A_433 : vector<1x1x16xf32> to vector<16xf32>
        %swap3A_435 = vector.shape_cast %get3A_428 : vector<16xf32> to vector<1x1x16xf32>
        tpu.vector_store %arg8[%swap3A_430, %swap3A_431, %swap3A_432], %swap3A_435 {add = true, strides = array<i32>} : memref<4x200x64xf32, #tpu.memory_space<vmem>>, vector<1x1x16xf32>,
        %get3A_436 = arith.index_cast %add3A_402 : i32 to index
        %get3A_437 = arith.constant 48 : index
        %get3A_438 = tpu.vector_load %arg7[%get3A_436, %get3A_437] {strides = array<i32>} : memref<200x64xf32, #tpu.memory_space<vmem>>, vector<1x16xf32>,
        %get3A_439 = vector.shape_cast %get3A_438 : vector<1x16xf32> to vector<16xf32>
        %swap3A_440 = arith.constant 1 : i32
        %swap3A_441 = arith.index_cast %swap3A_440 : i32 to index
        %swap3A_442 = arith.index_cast %add3A_402 : i32 to index
        %swap3A_443 = arith.constant 48 : index
        %swap3A_444 = tpu.vector_load %arg8[%swap3A_441, %swap3A_442, %swap3A_443] {strides = array<i32>} : memref<4x200x64xf32, #tpu.memory_space<vmem>>, vector<1x1x16xf32>,
        %swap3A_445 = vector.shape_cast %swap3A_444 : vector<1x1x16xf32> to vector<16xf32>
        %swap3A_446 = vector.shape_cast %get3A_439 : vector<16xf32> to vector<1x1x16xf32>
        tpu.vector_store %arg8[%swap3A_441, %swap3A_442, %swap3A_443], %swap3A_446 {add = true, strides = array<i32>} : memref<4x200x64xf32, #tpu.memory_space<vmem>>, vector<1x1x16xf32>,
        %mul3A_447 = arith.constant 4 : i32
        %mul3A_448 = arith.muli %scan3A_352, %mul3A_447 : i32
        %add3A_449 = arith.constant 2 : i32
        %add3A_450 = arith.addi %mul3A_448, %add3A_449 : i32
        %get3A_451 = arith.index_cast %add3A_450 : i32 to index
        %get3A_452 = arith.constant 0 : index
        %get3A_453 = tpu.vector_load %arg7[%get3A_451, %get3A_452] {strides = array<i32>} : memref<200x64xf32, #tpu.memory_space<vmem>>, vector<1x16xf32>,
        %get3A_454 = vector.shape_cast %get3A_453 : vector<1x16xf32> to vector<16xf32>
        %swap3A_455 = arith.constant 1 : i32
        %swap3A_456 = arith.index_cast %swap3A_455 : i32 to index
        %swap3A_457 = arith.index_cast %add3A_450 : i32 to index
        %swap3A_458 = arith.constant 0 : index
        %swap3A_459 = tpu.vector_load %arg8[%swap3A_456, %swap3A_457, %swap3A_458] {strides = array<i32>} : memref<4x200x64xf32, #tpu.memory_space<vmem>>, vector<1x1x16xf32>,
        %swap3A_460 = vector.shape_cast %swap3A_459 : vector<1x1x16xf32> to vector<16xf32>
        %swap3A_461 = vector.shape_cast %get3A_454 : vector<16xf32> to vector<1x1x16xf32>
        tpu.vector_store %arg8[%swap3A_456, %swap3A_457, %swap3A_458], %swap3A_461 {add = true, strides = array<i32>} : memref<4x200x64xf32, #tpu.memory_space<vmem>>, vector<1x1x16xf32>,
        %get3A_462 = arith.index_cast %add3A_450 : i32 to index
        %get3A_463 = arith.constant 16 : index
        %get3A_464 = tpu.vector_load %arg7[%get3A_462, %get3A_463] {strides = array<i32>} : memref<200x64xf32, #tpu.memory_space<vmem>>, vector<1x16xf32>,
        %get3A_465 = vector.shape_cast %get3A_464 : vector<1x16xf32> to vector<16xf32>
        %swap3A_466 = arith.constant 1 : i32
        %swap3A_467 = arith.index_cast %swap3A_466 : i32 to index
        %swap3A_468 = arith.index_cast %add3A_450 : i32 to index
        %swap3A_469 = arith.constant 16 : index
        %swap3A_470 = tpu.vector_load %arg8[%swap3A_467, %swap3A_468, %swap3A_469] {strides = array<i32>} : memref<4x200x64xf32, #tpu.memory_space<vmem>>, vector<1x1x16xf32>,
        %swap3A_471 = vector.shape_cast %swap3A_470 : vector<1x1x16xf32> to vector<16xf32>
        %swap3A_472 = vector.shape_cast %get3A_465 : vector<16xf32> to vector<1x1x16xf32>
        tpu.vector_store %arg8[%swap3A_467, %swap3A_468, %swap3A_469], %swap3A_472 {add = true, strides = array<i32>} : memref<4x200x64xf32, #tpu.memory_space<vmem>>, vector<1x1x16xf32>,
        %get3A_473 = arith.index_cast %add3A_450 : i32 to index
        %get3A_474 = arith.constant 32 : index
        %get3A_475 = tpu.vector_load %arg7[%get3A_473, %get3A_474] {strides = array<i32>} : memref<200x64xf32, #tpu.memory_space<vmem>>, vector<1x16xf32>,
        %get3A_476 = vector.shape_cast %get3A_475 : vector<1x16xf32> to vector<16xf32>
        %swap3A_477 = arith.constant 1 : i32
        %swap3A_478 = arith.index_cast %swap3A_477 : i32 to index
        %swap3A_479 = arith.index_cast %add3A_450 : i32 to index
        %swap3A_480 = arith.constant 32 : index
        %swap3A_481 = tpu.vector_load %arg8[%swap3A_478, %swap3A_479, %swap3A_480] {strides = array<i32>} : memref<4x200x64xf32, #tpu.memory_space<vmem>>, vector<1x1x16xf32>,
        %swap3A_482 = vector.shape_cast %swap3A_481 : vector<1x1x16xf32> to vector<16xf32>
        %swap3A_483 = vector.shape_cast %get3A_476 : vector<16xf32> to vector<1x1x16xf32>
        tpu.vector_store %arg8[%swap3A_478, %swap3A_479, %swap3A_480], %swap3A_483 {add = true, strides = array<i32>} : memref<4x200x64xf32, #tpu.memory_space<vmem>>, vector<1x1x16xf32>,
        %get3A_484 = arith.index_cast %add3A_450 : i32 to index
        %get3A_485 = arith.constant 48 : index
        %get3A_486 = tpu.vector_load %arg7[%get3A_484, %get3A_485] {strides = array<i32>} : memref<200x64xf32, #tpu.memory_space<vmem>>, vector<1x16xf32>,
        %get3A_487 = vector.shape_cast %get3A_486 : vector<1x16xf32> to vector<16xf32>
        %swap3A_488 = arith.constant 1 : i32
        %swap3A_489 = arith.index_cast %swap3A_488 : i32 to index
        %swap3A_490 = arith.index_cast %add3A_450 : i32 to index
        %swap3A_491 = arith.constant 48 : index
        %swap3A_492 = tpu.vector_load %arg8[%swap3A_489, %swap3A_490, %swap3A_491] {strides = array<i32>} : memref<4x200x64xf32, #tpu.memory_space<vmem>>, vector<1x1x16xf32>,
        %swap3A_493 = vector.shape_cast %swap3A_492 : vector<1x1x16xf32> to vector<16xf32>
        %swap3A_494 = vector.shape_cast %get3A_487 : vector<16xf32> to vector<1x1x16xf32>
        tpu.vector_store %arg8[%swap3A_489, %swap3A_490, %swap3A_491], %swap3A_494 {add = true, strides = array<i32>} : memref<4x200x64xf32, #tpu.memory_space<vmem>>, vector<1x1x16xf32>,
        %mul3A_495 = arith.constant 4 : i32
        %mul3A_496 = arith.muli %scan3A_352, %mul3A_495 : i32
        %add3A_497 = arith.constant 3 : i32
        %add3A_498 = arith.addi %mul3A_496, %add3A_497 : i32
        %get3A_499 = arith.index_cast %add3A_498 : i32 to index
        %get3A_500 = arith.constant 0 : index
        %get3A_501 = tpu.vector_load %arg7[%get3A_499, %get3A_500] {strides = array<i32>} : memref<200x64xf32, #tpu.memory_space<vmem>>, vector<1x16xf32>,
        %get3A_502 = vector.shape_cast %get3A_501 : vector<1x16xf32> to vector<16xf32>
        %swap3A_503 = arith.constant 1 : i32
        %swap3A_504 = arith.index_cast %swap3A_503 : i32 to index
        %swap3A_505 = arith.index_cast %add3A_498 : i32 to index
        %swap3A_506 = arith.constant 0 : index
        %swap3A_507 = tpu.vector_load %arg8[%swap3A_504, %swap3A_505, %swap3A_506] {strides = array<i32>} : memref<4x200x64xf32, #tpu.memory_space<vmem>>, vector<1x1x16xf32>,
        %swap3A_508 = vector.shape_cast %swap3A_507 : vector<1x1x16xf32> to vector<16xf32>
        %swap3A_509 = vector.shape_cast %get3A_502 : vector<16xf32> to vector<1x1x16xf32>
        tpu.vector_store %arg8[%swap3A_504, %swap3A_505, %swap3A_506], %swap3A_509 {add = true, strides = array<i32>} : memref<4x200x64xf32, #tpu.memory_space<vmem>>, vector<1x1x16xf32>,
        %get3A_510 = arith.index_cast %add3A_498 : i32 to index
        %get3A_511 = arith.constant 16 : index
        %get3A_512 = tpu.vector_load %arg7[%get3A_510, %get3A_511] {strides = array<i32>} : memref<200x64xf32, #tpu.memory_space<vmem>>, vector<1x16xf32>,
        %get3A_513 = vector.shape_cast %get3A_512 : vector<1x16xf32> to vector<16xf32>
        %swap3A_514 = arith.constant 1 : i32
        %swap3A_515 = arith.index_cast %swap3A_514 : i32 to index
        %swap3A_516 = arith.index_cast %add3A_498 : i32 to index
        %swap3A_517 = arith.constant 16 : index
        %swap3A_518 = tpu.vector_load %arg8[%swap3A_515, %swap3A_516, %swap3A_517] {strides = array<i32>} : memref<4x200x64xf32, #tpu.memory_space<vmem>>, vector<1x1x16xf32>,
        %swap3A_519 = vector.shape_cast %swap3A_518 : vector<1x1x16xf32> to vector<16xf32>
        %swap3A_520 = vector.shape_cast %get3A_513 : vector<16xf32> to vector<1x1x16xf32>
        tpu.vector_store %arg8[%swap3A_515, %swap3A_516, %swap3A_517], %swap3A_520 {add = true, strides = array<i32>} : memref<4x200x64xf32, #tpu.memory_space<vmem>>, vector<1x1x16xf32>,
        %get3A_521 = arith.index_cast %add3A_498 : i32 to index
        %get3A_522 = arith.constant 32 : index
        %get3A_523 = tpu.vector_load %arg7[%get3A_521, %get3A_522] {strides = array<i32>} : memref<200x64xf32, #tpu.memory_space<vmem>>, vector<1x16xf32>,
        %get3A_524 = vector.shape_cast %get3A_523 : vector<1x16xf32> to vector<16xf32>
        %swap3A_525 = arith.constant 1 : i32
        %swap3A_526 = arith.index_cast %swap3A_525 : i32 to index
        %swap3A_527 = arith.index_cast %add3A_498 : i32 to index
        %swap3A_528 = arith.constant 32 : index
        %swap3A_529 = tpu.vector_load %arg8[%swap3A_526, %swap3A_527, %swap3A_528] {strides = array<i32>} : memref<4x200x64xf32, #tpu.memory_space<vmem>>, vector<1x1x16xf32>,
        %swap3A_530 = vector.shape_cast %swap3A_529 : vector<1x1x16xf32> to vector<16xf32>
        %swap3A_531 = vector.shape_cast %get3A_524 : vector<16xf32> to vector<1x1x16xf32>
        tpu.vector_store %arg8[%swap3A_526, %swap3A_527, %swap3A_528], %swap3A_531 {add = true, strides = array<i32>} : memref<4x200x64xf32, #tpu.memory_space<vmem>>, vector<1x1x16xf32>,
        %get3A_532 = arith.index_cast %add3A_498 : i32 to index
        %get3A_533 = arith.constant 48 : index
        %get3A_534 = tpu.vector_load %arg7[%get3A_532, %get3A_533] {strides = array<i32>} : memref<200x64xf32, #tpu.memory_space<vmem>>, vector<1x16xf32>,
        %get3A_535 = vector.shape_cast %get3A_534 : vector<1x16xf32> to vector<16xf32>
        %swap3A_536 = arith.constant 1 : i32
        %swap3A_537 = arith.index_cast %swap3A_536 : i32 to index
        %swap3A_538 = arith.index_cast %add3A_498 : i32 to index
        %swap3A_539 = arith.constant 48 : index
        %swap3A_540 = tpu.vector_load %arg8[%swap3A_537, %swap3A_538, %swap3A_539] {strides = array<i32>} : memref<4x200x64xf32, #tpu.memory_space<vmem>>, vector<1x1x16xf32>,
        %swap3A_541 = vector.shape_cast %swap3A_540 : vector<1x1x16xf32> to vector<16xf32>
        %swap3A_542 = vector.shape_cast %get3A_535 : vector<16xf32> to vector<1x1x16xf32>
        tpu.vector_store %arg8[%swap3A_537, %swap3A_538, %swap3A_539], %swap3A_542 {add = true, strides = array<i32>} : memref<4x200x64xf32, #tpu.memory_space<vmem>>, vector<1x1x16xf32>,
      }
      %scan3A_165 = arith.constant 50 : i32
      %add3A_166 = arith.addi %mul3A_2, %add3A_130 : i32
      %dma_start3A_167 = arith.constant 1 : i32
      %dma_start3A_168 = arith.constant 0 : i32
      %dma_start3A_169 = arith.constant 0 : i32
      %dma_start3A_170 = tpu.memref_slice %arg8[%dma_start3A_167, %dma_start3A_168, %dma_start3A_169] : memref<4x200x64xf32, #tpu.memory_space<vmem>> -> memref<1x200x64xf32, #tpu.memory_space<vmem>>
      %dma_start3A_171 = tpu.memref_squeeze %dma_start3A_170 : memref<1x200x64xf32, #tpu.memory_space<vmem>> -> memref<200x64xf32, #tpu.memory_space<vmem>>
      %dma_start3A_172 = arith.constant 0 : i32
      %dma_start3A_173 = arith.constant 0 : i32
      %dma_start3A_174 = tpu.memref_slice %arg5[%add3A_166, %dma_start3A_172, %dma_start3A_173] : memref<4096x200x64xf32, #tpu.memory_space<hbm>> -> memref<1x200x64xf32, #tpu.memory_space<hbm>>
      %dma_start3A_175 = tpu.memref_squeeze %dma_start3A_174 : memref<1x200x64xf32, #tpu.memory_space<hbm>> -> memref<200x64xf32, #tpu.memory_space<hbm>>
      %dma_start3A_176 = arith.constant 0 : i32
      %dma_start3A_177 = arith.constant 0 : i32
      %dma_start3A_178 = tpu.memref_slice %arg5[%add3A_166, %dma_start3A_176, %dma_start3A_177] : memref<4096x200x64xf32, #tpu.memory_space<hbm>> -> memref<1x200x64xf32, #tpu.memory_space<hbm>>
      %dma_start3A_179 = tpu.memref_squeeze %dma_start3A_178 : memref<1x200x64xf32, #tpu.memory_space<hbm>> -> memref<200x64xf32, #tpu.memory_space<hbm>>
      %dma_start3A_180 = arith.constant 0 : i32
      %dma_start3A_181 = arith.constant 0 : i32
      %dma_start3A_182 = tpu.memref_slice %arg8[%dma_start3A_167, %dma_start3A_180, %dma_start3A_181] : memref<4x200x64xf32, #tpu.memory_space<vmem>> -> memref<1x200x64xf32, #tpu.memory_space<vmem>>
      %dma_start3A_183 = tpu.memref_squeeze %dma_start3A_182 : memref<1x200x64xf32, #tpu.memory_space<vmem>> -> memref<200x64xf32, #tpu.memory_space<vmem>>
      tpu.enqueue_dma source(%dma_start3A_183 : memref<200x64xf32, #tpu.memory_space<vmem>>) target(%dma_start3A_179 : memref<200x64xf32, #tpu.memory_space<hbm>>) target_semaphore(%arg14 : memref<!tpu.dma_semaphore, #tpu.memory_space<semaphore_mem>>)
      %add3A_184 = arith.addi %mul3A_2, %add3A_130 : i32
      %dma_wait3A_185 = arith.constant 1 : i32
      %dma_wait3A_186 = arith.constant 0 : i32
      %dma_wait3A_187 = arith.constant 0 : i32
      %dma_wait3A_188 = tpu.memref_slice %arg8[%dma_wait3A_185, %dma_wait3A_186, %dma_wait3A_187] : memref<4x200x64xf32, #tpu.memory_space<vmem>> -> memref<1x200x64xf32, #tpu.memory_space<vmem>>
      %dma_wait3A_189 = tpu.memref_squeeze %dma_wait3A_188 : memref<1x200x64xf32, #tpu.memory_space<vmem>> -> memref<200x64xf32, #tpu.memory_space<vmem>>
      %dma_wait3A_190 = arith.constant 0 : i32
      %dma_wait3A_191 = arith.constant 0 : i32
      %dma_wait3A_192 = tpu.memref_slice %arg5[%add3A_184, %dma_wait3A_190, %dma_wait3A_191] : memref<4096x200x64xf32, #tpu.memory_space<hbm>> -> memref<1x200x64xf32, #tpu.memory_space<hbm>>
      %dma_wait3A_193 = tpu.memref_squeeze %dma_wait3A_192 : memref<1x200x64xf32, #tpu.memory_space<hbm>> -> memref<200x64xf32, #tpu.memory_space<hbm>>
      %dma_wait3A_194 = arith.constant 0 : i32
      %dma_wait3A_195 = arith.constant 0 : i32
      %dma_wait3A_196 = tpu.memref_slice %arg5[%add3A_184, %dma_wait3A_194, %dma_wait3A_195] : memref<4096x200x64xf32, #tpu.memory_space<hbm>> -> memref<1x200x64xf32, #tpu.memory_space<hbm>>
      %dma_wait3A_197 = tpu.memref_squeeze %dma_wait3A_196 : memref<1x200x64xf32, #tpu.memory_space<hbm>> -> memref<200x64xf32, #tpu.memory_space<hbm>>
      %dma_wait3A_198 = arith.constant 0 : i32
      %dma_wait3A_199 = arith.constant 0 : i32
      %dma_wait3A_200 = tpu.memref_slice %arg8[%dma_wait3A_185, %dma_wait3A_198, %dma_wait3A_199] : memref<4x200x64xf32, #tpu.memory_space<vmem>> -> memref<1x200x64xf32, #tpu.memory_space<vmem>>
      %dma_wait3A_201 = tpu.memref_squeeze %dma_wait3A_200 : memref<1x200x64xf32, #tpu.memory_space<vmem>> -> memref<200x64xf32, #tpu.memory_space<vmem>>
      tpu.wait_dma2 semaphore(%arg14 : memref<!tpu.dma_semaphore, #tpu.memory_space<semaphore_mem>>) src(%dma_wait3A_201 : memref<200x64xf32, #tpu.memory_space<vmem>>) dst(%dma_wait3A_197 : memref<200x64xf32, #tpu.memory_space<hbm>>)
      %mul3A_202 = arith.constant 4 : i32
      %mul3A_203 = arith.muli %scan3A_55, %mul3A_202 : i32
      %add3A_204 = arith.constant 2 : i32
      %add3A_205 = arith.addi %mul3A_203, %add3A_204 : i32
      %dma_wait3A_206 = arith.constant 2 : i32
      %dma_wait3A_207 = arith.constant 0 : i32
      %dma_wait3A_208 = arith.constant 0 : i32
      %dma_wait3A_209 = tpu.memref_slice %arg8[%dma_wait3A_206, %dma_wait3A_207, %dma_wait3A_208] : memref<4x200x64xf32, #tpu.memory_space<vmem>> -> memref<1x104x64xf32, #tpu.memory_space<vmem>>
      %dma_wait3A_210 = tpu.memref_squeeze %dma_wait3A_209 : memref<1x104x64xf32, #tpu.memory_space<vmem>> -> memref<104x64xf32, #tpu.memory_space<vmem>>
      %dma_wait3A_211 = arith.constant 0 : i32
      %dma_wait3A_212 = tpu.memref_slice %arg6[%add3A_205, %dma_wait3A_211] : memref<128x200xi32, #tpu.memory_space<vmem>> -> memref<1x104xi32, #tpu.memory_space<vmem>>
      %dma_wait3A_213 = tpu.memref_squeeze %dma_wait3A_212 : memref<1x104xi32, #tpu.memory_space<vmem>> -> memref<104xi32, #tpu.memory_space<vmem>>
      %dma_wait3A_214 = arith.constant 0 : i32
      %dma_wait3A_215 = arith.constant 0 : i32
      %dma_wait3A_216 = tpu.memref_slice %arg2[%dma_wait3A_214, %dma_wait3A_215] : memref<1000000x64xf32, #tpu.memory_space<hbm>> -> memref<1000000x64xf32, #tpu.memory_space<hbm>>
      tpu.wait_indirect_dma semaphore(%arg11 : memref<!tpu.dma_semaphore, #tpu.memory_space<semaphore_mem>>) src(%dma_wait3A_216 : memref<1000000x64xf32, #tpu.memory_space<hbm>>) dst(%dma_wait3A_210 : memref<104x64xf32, #tpu.memory_space<vmem>>)
      %dma_wait3A_217 = arith.constant 2 : i32
      %dma_wait3A_218 = arith.constant 104 : i32
      %dma_wait3A_219 = arith.constant 0 : i32
      %dma_wait3A_220 = tpu.memref_slice %arg8[%dma_wait3A_217, %dma_wait3A_218, %dma_wait3A_219] : memref<4x200x64xf32, #tpu.memory_space<vmem>> -> memref<1x96x64xf32, #tpu.memory_space<vmem>>
      %dma_wait3A_221 = tpu.memref_squeeze %dma_wait3A_220 : memref<1x96x64xf32, #tpu.memory_space<vmem>> -> memref<96x64xf32, #tpu.memory_space<vmem>>
      %dma_wait3A_222 = arith.constant 104 : i32
      %dma_wait3A_223 = tpu.memref_slice %arg6[%add3A_205, %dma_wait3A_222] : memref<128x200xi32, #tpu.memory_space<vmem>> -> memref<1x96xi32, #tpu.memory_space<vmem>>
      %dma_wait3A_224 = tpu.memref_squeeze %dma_wait3A_223 : memref<1x96xi32, #tpu.memory_space<vmem>> -> memref<96xi32, #tpu.memory_space<vmem>>
      %dma_wait3A_225 = arith.constant 0 : i32
      %dma_wait3A_226 = arith.constant 0 : i32
      %dma_wait3A_227 = tpu.memref_slice %arg2[%dma_wait3A_225, %dma_wait3A_226] : memref<1000000x64xf32, #tpu.memory_space<hbm>> -> memref<1000000x64xf32, #tpu.memory_space<hbm>>
      tpu.wait_indirect_dma semaphore(%arg11 : memref<!tpu.dma_semaphore, #tpu.memory_space<semaphore_mem>>) src(%dma_wait3A_227 : memref<1000000x64xf32, #tpu.memory_space<hbm>>) dst(%dma_wait3A_221 : memref<96x64xf32, #tpu.memory_space<vmem>>)
      %add3A_228 = arith.constant 2 : i32
      %add3A_229 = arith.addi %add3A_205, %add3A_228 : i32
      %lt3A_230 = arith.constant 128 : i32
      %lt3A_231 = arith.cmpi slt, %add3A_229, %lt3A_230 : i32
      %convert_element_type3A_232 = arith.extui %lt3A_231 : i1 to i32
      %cond3A_233 = arith.constant 0 : i32
      %cond3A_234 = arith.cmpi ne, %convert_element_type3A_232, %cond3A_233 : i32
      scf.if %cond3A_234 {
        %add3A_352 = arith.constant 2 : i32
        %add3A_353 = arith.addi %add3A_205, %add3A_352 : i32
        %dma_start3A_354 = arith.constant 0 : i32
        %dma_start3A_355 = arith.constant 0 : i32
        %dma_start3A_356 = arith.constant 0 : i32
        %dma_start3A_357 = tpu.memref_slice %arg8[%dma_start3A_354, %dma_start3A_355, %dma_start3A_356] : memref<4x200x64xf32, #tpu.memory_space<vmem>> -> memref<1x104x64xf32, #tpu.memory_space<vmem>>
        %dma_start3A_358 = tpu.memref_squeeze %dma_start3A_357 : memref<1x104x64xf32, #tpu.memory_space<vmem>> -> memref<104x64xf32, #tpu.memory_space<vmem>>
        %dma_start3A_359 = arith.constant 0 : i32
        %dma_start3A_360 = tpu.memref_slice %arg6[%add3A_353, %dma_start3A_359] : memref<128x200xi32, #tpu.memory_space<vmem>> -> memref<1x104xi32, #tpu.memory_space<vmem>>
        %dma_start3A_361 = tpu.memref_squeeze %dma_start3A_360 : memref<1x104xi32, #tpu.memory_space<vmem>> -> memref<104xi32, #tpu.memory_space<vmem>>
        %dma_start3A_362 = arith.constant 0 : i32
        %dma_start3A_363 = arith.constant 0 : i32
        %dma_start3A_364 = tpu.memref_slice %arg2[%dma_start3A_362, %dma_start3A_363] : memref<1000000x64xf32, #tpu.memory_space<hbm>> -> memref<1000000x64xf32, #tpu.memory_space<hbm>>
        tpu.enqueue_indirect_dma source(%dma_start3A_364 : memref<1000000x64xf32, #tpu.memory_space<hbm>>) target(%dma_start3A_358 : memref<104x64xf32, #tpu.memory_space<vmem>>) offsets(%dma_start3A_361 : memref<104xi32, #tpu.memory_space<vmem>>) semaphore(%arg9 : memref<!tpu.dma_semaphore, #tpu.memory_space<semaphore_mem>>)
        %dma_start3A_365 = arith.constant 0 : i32
        %dma_start3A_366 = arith.constant 104 : i32
        %dma_start3A_367 = arith.constant 0 : i32
        %dma_start3A_368 = tpu.memref_slice %arg8[%dma_start3A_365, %dma_start3A_366, %dma_start3A_367] : memref<4x200x64xf32, #tpu.memory_space<vmem>> -> memref<1x96x64xf32, #tpu.memory_space<vmem>>
        %dma_start3A_369 = tpu.memref_squeeze %dma_start3A_368 : memref<1x96x64xf32, #tpu.memory_space<vmem>> -> memref<96x64xf32, #tpu.memory_space<vmem>>
        %dma_start3A_370 = arith.constant 104 : i32
        %dma_start3A_371 = tpu.memref_slice %arg6[%add3A_353, %dma_start3A_370] : memref<128x200xi32, #tpu.memory_space<vmem>> -> memref<1x96xi32, #tpu.memory_space<vmem>>
        %dma_start3A_372 = tpu.memref_squeeze %dma_start3A_371 : memref<1x96xi32, #tpu.memory_space<vmem>> -> memref<96xi32, #tpu.memory_space<vmem>>
        %dma_start3A_373 = arith.constant 0 : i32
        %dma_start3A_374 = arith.constant 0 : i32
        %dma_start3A_375 = tpu.memref_slice %arg2[%dma_start3A_373, %dma_start3A_374] : memref<1000000x64xf32, #tpu.memory_space<hbm>> -> memref<1000000x64xf32, #tpu.memory_space<hbm>>
        tpu.enqueue_indirect_dma source(%dma_start3A_375 : memref<1000000x64xf32, #tpu.memory_space<hbm>>) target(%dma_start3A_369 : memref<96x64xf32, #tpu.memory_space<vmem>>) offsets(%dma_start3A_372 : memref<96xi32, #tpu.memory_space<vmem>>) semaphore(%arg9 : memref<!tpu.dma_semaphore, #tpu.memory_space<semaphore_mem>>)
      } else {
      }
      %scan3A_235 = arith.constant 0 : i32
      %scan3A_236 = arith.constant 0 : i32
      %scan3A_237 = arith.constant 50 : i32
      %scan3A_238 = arith.addi %scan3A_236, %scan3A_237 : i32
      %scan3A_239 = arith.constant 1 : i32
      scf.for %scan3A_352 = %scan3A_236 to %scan3A_238 step %scan3A_239  : i32 {
        %mul3A_353 = arith.constant 4 : i32
        %mul3A_354 = arith.muli %scan3A_352, %mul3A_353 : i32
        %add3A_355 = arith.constant 0 : i32
        %add3A_356 = arith.addi %mul3A_354, %add3A_355 : i32
        %get3A = arith.index_cast %add3A_356 : i32 to index
        %get3A_357 = arith.constant 0 : index
        %get3A_358 = tpu.vector_load %arg7[%get3A, %get3A_357] {strides = array<i32>} : memref<200x64xf32, #tpu.memory_space<vmem>>, vector<1x16xf32>,
        %get3A_359 = vector.shape_cast %get3A_358 : vector<1x16xf32> to vector<16xf32>
        %swap3A = arith.constant 2 : i32
        %swap3A_360 = arith.index_cast %swap3A : i32 to index
        %swap3A_361 = arith.index_cast %add3A_356 : i32 to index
        %swap3A_362 = arith.constant 0 : index
        %swap3A_363 = tpu.vector_load %arg8[%swap3A_360, %swap3A_361, %swap3A_362] {strides = array<i32>} : memref<4x200x64xf32, #tpu.memory_space<vmem>>, vector<1x1x16xf32>,
        %swap3A_364 = vector.shape_cast %swap3A_363 : vector<1x1x16xf32> to vector<16xf32>
        %swap3A_365 = vector.shape_cast %get3A_359 : vector<16xf32> to vector<1x1x16xf32>
        tpu.vector_store %arg8[%swap3A_360, %swap3A_361, %swap3A_362], %swap3A_365 {add = true, strides = array<i32>} : memref<4x200x64xf32, #tpu.memory_space<vmem>>, vector<1x1x16xf32>,
        %get3A_366 = arith.index_cast %add3A_356 : i32 to index
        %get3A_367 = arith.constant 16 : index
        %get3A_368 = tpu.vector_load %arg7[%get3A_366, %get3A_367] {strides = array<i32>} : memref<200x64xf32, #tpu.memory_space<vmem>>, vector<1x16xf32>,
        %get3A_369 = vector.shape_cast %get3A_368 : vector<1x16xf32> to vector<16xf32>
        %swap3A_370 = arith.constant 2 : i32
        %swap3A_371 = arith.index_cast %swap3A_370 : i32 to index
        %swap3A_372 = arith.index_cast %add3A_356 : i32 to index
        %swap3A_373 = arith.constant 16 : index
        %swap3A_374 = tpu.vector_load %arg8[%swap3A_371, %swap3A_372, %swap3A_373] {strides = array<i32>} : memref<4x200x64xf32, #tpu.memory_space<vmem>>, vector<1x1x16xf32>,
        %swap3A_375 = vector.shape_cast %swap3A_374 : vector<1x1x16xf32> to vector<16xf32>
        %swap3A_376 = vector.shape_cast %get3A_369 : vector<16xf32> to vector<1x1x16xf32>
        tpu.vector_store %arg8[%swap3A_371, %swap3A_372, %swap3A_373], %swap3A_376 {add = true, strides = array<i32>} : memref<4x200x64xf32, #tpu.memory_space<vmem>>, vector<1x1x16xf32>,
        %get3A_377 = arith.index_cast %add3A_356 : i32 to index
        %get3A_378 = arith.constant 32 : index
        %get3A_379 = tpu.vector_load %arg7[%get3A_377, %get3A_378] {strides = array<i32>} : memref<200x64xf32, #tpu.memory_space<vmem>>, vector<1x16xf32>,
        %get3A_380 = vector.shape_cast %get3A_379 : vector<1x16xf32> to vector<16xf32>
        %swap3A_381 = arith.constant 2 : i32
        %swap3A_382 = arith.index_cast %swap3A_381 : i32 to index
        %swap3A_383 = arith.index_cast %add3A_356 : i32 to index
        %swap3A_384 = arith.constant 32 : index
        %swap3A_385 = tpu.vector_load %arg8[%swap3A_382, %swap3A_383, %swap3A_384] {strides = array<i32>} : memref<4x200x64xf32, #tpu.memory_space<vmem>>, vector<1x1x16xf32>,
        %swap3A_386 = vector.shape_cast %swap3A_385 : vector<1x1x16xf32> to vector<16xf32>
        %swap3A_387 = vector.shape_cast %get3A_380 : vector<16xf32> to vector<1x1x16xf32>
        tpu.vector_store %arg8[%swap3A_382, %swap3A_383, %swap3A_384], %swap3A_387 {add = true, strides = array<i32>} : memref<4x200x64xf32, #tpu.memory_space<vmem>>, vector<1x1x16xf32>,
        %get3A_388 = arith.index_cast %add3A_356 : i32 to index
        %get3A_389 = arith.constant 48 : index
        %get3A_390 = tpu.vector_load %arg7[%get3A_388, %get3A_389] {strides = array<i32>} : memref<200x64xf32, #tpu.memory_space<vmem>>, vector<1x16xf32>,
        %get3A_391 = vector.shape_cast %get3A_390 : vector<1x16xf32> to vector<16xf32>
        %swap3A_392 = arith.constant 2 : i32
        %swap3A_393 = arith.index_cast %swap3A_392 : i32 to index
        %swap3A_394 = arith.index_cast %add3A_356 : i32 to index
        %swap3A_395 = arith.constant 48 : index
        %swap3A_396 = tpu.vector_load %arg8[%swap3A_393, %swap3A_394, %swap3A_395] {strides = array<i32>} : memref<4x200x64xf32, #tpu.memory_space<vmem>>, vector<1x1x16xf32>,
        %swap3A_397 = vector.shape_cast %swap3A_396 : vector<1x1x16xf32> to vector<16xf32>
        %swap3A_398 = vector.shape_cast %get3A_391 : vector<16xf32> to vector<1x1x16xf32>
        tpu.vector_store %arg8[%swap3A_393, %swap3A_394, %swap3A_395], %swap3A_398 {add = true, strides = array<i32>} : memref<4x200x64xf32, #tpu.memory_space<vmem>>, vector<1x1x16xf32>,
        %mul3A_399 = arith.constant 4 : i32
        %mul3A_400 = arith.muli %scan3A_352, %mul3A_399 : i32
        %add3A_401 = arith.constant 1 : i32
        %add3A_402 = arith.addi %mul3A_400, %add3A_401 : i32
        %get3A_403 = arith.index_cast %add3A_402 : i32 to index
        %get3A_404 = arith.constant 0 : index
        %get3A_405 = tpu.vector_load %arg7[%get3A_403, %get3A_404] {strides = array<i32>} : memref<200x64xf32, #tpu.memory_space<vmem>>, vector<1x16xf32>,
        %get3A_406 = vector.shape_cast %get3A_405 : vector<1x16xf32> to vector<16xf32>
        %swap3A_407 = arith.constant 2 : i32
        %swap3A_408 = arith.index_cast %swap3A_407 : i32 to index
        %swap3A_409 = arith.index_cast %add3A_402 : i32 to index
        %swap3A_410 = arith.constant 0 : index
        %swap3A_411 = tpu.vector_load %arg8[%swap3A_408, %swap3A_409, %swap3A_410] {strides = array<i32>} : memref<4x200x64xf32, #tpu.memory_space<vmem>>, vector<1x1x16xf32>,
        %swap3A_412 = vector.shape_cast %swap3A_411 : vector<1x1x16xf32> to vector<16xf32>
        %swap3A_413 = vector.shape_cast %get3A_406 : vector<16xf32> to vector<1x1x16xf32>
        tpu.vector_store %arg8[%swap3A_408, %swap3A_409, %swap3A_410], %swap3A_413 {add = true, strides = array<i32>} : memref<4x200x64xf32, #tpu.memory_space<vmem>>, vector<1x1x16xf32>,
        %get3A_414 = arith.index_cast %add3A_402 : i32 to index
        %get3A_415 = arith.constant 16 : index
        %get3A_416 = tpu.vector_load %arg7[%get3A_414, %get3A_415] {strides = array<i32>} : memref<200x64xf32, #tpu.memory_space<vmem>>, vector<1x16xf32>,
        %get3A_417 = vector.shape_cast %get3A_416 : vector<1x16xf32> to vector<16xf32>
        %swap3A_418 = arith.constant 2 : i32
        %swap3A_419 = arith.index_cast %swap3A_418 : i32 to index
        %swap3A_420 = arith.index_cast %add3A_402 : i32 to index
        %swap3A_421 = arith.constant 16 : index
        %swap3A_422 = tpu.vector_load %arg8[%swap3A_419, %swap3A_420, %swap3A_421] {strides = array<i32>} : memref<4x200x64xf32, #tpu.memory_space<vmem>>, vector<1x1x16xf32>,
        %swap3A_423 = vector.shape_cast %swap3A_422 : vector<1x1x16xf32> to vector<16xf32>
        %swap3A_424 = vector.shape_cast %get3A_417 : vector<16xf32> to vector<1x1x16xf32>
        tpu.vector_store %arg8[%swap3A_419, %swap3A_420, %swap3A_421], %swap3A_424 {add = true, strides = array<i32>} : memref<4x200x64xf32, #tpu.memory_space<vmem>>, vector<1x1x16xf32>,
        %get3A_425 = arith.index_cast %add3A_402 : i32 to index
        %get3A_426 = arith.constant 32 : index
        %get3A_427 = tpu.vector_load %arg7[%get3A_425, %get3A_426] {strides = array<i32>} : memref<200x64xf32, #tpu.memory_space<vmem>>, vector<1x16xf32>,
        %get3A_428 = vector.shape_cast %get3A_427 : vector<1x16xf32> to vector<16xf32>
        %swap3A_429 = arith.constant 2 : i32
        %swap3A_430 = arith.index_cast %swap3A_429 : i32 to index
        %swap3A_431 = arith.index_cast %add3A_402 : i32 to index
        %swap3A_432 = arith.constant 32 : index
        %swap3A_433 = tpu.vector_load %arg8[%swap3A_430, %swap3A_431, %swap3A_432] {strides = array<i32>} : memref<4x200x64xf32, #tpu.memory_space<vmem>>, vector<1x1x16xf32>,
        %swap3A_434 = vector.shape_cast %swap3A_433 : vector<1x1x16xf32> to vector<16xf32>
        %swap3A_435 = vector.shape_cast %get3A_428 : vector<16xf32> to vector<1x1x16xf32>
        tpu.vector_store %arg8[%swap3A_430, %swap3A_431, %swap3A_432], %swap3A_435 {add = true, strides = array<i32>} : memref<4x200x64xf32, #tpu.memory_space<vmem>>, vector<1x1x16xf32>,
        %get3A_436 = arith.index_cast %add3A_402 : i32 to index
        %get3A_437 = arith.constant 48 : index
        %get3A_438 = tpu.vector_load %arg7[%get3A_436, %get3A_437] {strides = array<i32>} : memref<200x64xf32, #tpu.memory_space<vmem>>, vector<1x16xf32>,
        %get3A_439 = vector.shape_cast %get3A_438 : vector<1x16xf32> to vector<16xf32>
        %swap3A_440 = arith.constant 2 : i32
        %swap3A_441 = arith.index_cast %swap3A_440 : i32 to index
        %swap3A_442 = arith.index_cast %add3A_402 : i32 to index
        %swap3A_443 = arith.constant 48 : index
        %swap3A_444 = tpu.vector_load %arg8[%swap3A_441, %swap3A_442, %swap3A_443] {strides = array<i32>} : memref<4x200x64xf32, #tpu.memory_space<vmem>>, vector<1x1x16xf32>,
        %swap3A_445 = vector.shape_cast %swap3A_444 : vector<1x1x16xf32> to vector<16xf32>
        %swap3A_446 = vector.shape_cast %get3A_439 : vector<16xf32> to vector<1x1x16xf32>
        tpu.vector_store %arg8[%swap3A_441, %swap3A_442, %swap3A_443], %swap3A_446 {add = true, strides = array<i32>} : memref<4x200x64xf32, #tpu.memory_space<vmem>>, vector<1x1x16xf32>,
        %mul3A_447 = arith.constant 4 : i32
        %mul3A_448 = arith.muli %scan3A_352, %mul3A_447 : i32
        %add3A_449 = arith.constant 2 : i32
        %add3A_450 = arith.addi %mul3A_448, %add3A_449 : i32
        %get3A_451 = arith.index_cast %add3A_450 : i32 to index
        %get3A_452 = arith.constant 0 : index
        %get3A_453 = tpu.vector_load %arg7[%get3A_451, %get3A_452] {strides = array<i32>} : memref<200x64xf32, #tpu.memory_space<vmem>>, vector<1x16xf32>,
        %get3A_454 = vector.shape_cast %get3A_453 : vector<1x16xf32> to vector<16xf32>
        %swap3A_455 = arith.constant 2 : i32
        %swap3A_456 = arith.index_cast %swap3A_455 : i32 to index
        %swap3A_457 = arith.index_cast %add3A_450 : i32 to index
        %swap3A_458 = arith.constant 0 : index
        %swap3A_459 = tpu.vector_load %arg8[%swap3A_456, %swap3A_457, %swap3A_458] {strides = array<i32>} : memref<4x200x64xf32, #tpu.memory_space<vmem>>, vector<1x1x16xf32>,
        %swap3A_460 = vector.shape_cast %swap3A_459 : vector<1x1x16xf32> to vector<16xf32>
        %swap3A_461 = vector.shape_cast %get3A_454 : vector<16xf32> to vector<1x1x16xf32>
        tpu.vector_store %arg8[%swap3A_456, %swap3A_457, %swap3A_458], %swap3A_461 {add = true, strides = array<i32>} : memref<4x200x64xf32, #tpu.memory_space<vmem>>, vector<1x1x16xf32>,
        %get3A_462 = arith.index_cast %add3A_450 : i32 to index
        %get3A_463 = arith.constant 16 : index
        %get3A_464 = tpu.vector_load %arg7[%get3A_462, %get3A_463] {strides = array<i32>} : memref<200x64xf32, #tpu.memory_space<vmem>>, vector<1x16xf32>,
        %get3A_465 = vector.shape_cast %get3A_464 : vector<1x16xf32> to vector<16xf32>
        %swap3A_466 = arith.constant 2 : i32
        %swap3A_467 = arith.index_cast %swap3A_466 : i32 to index
        %swap3A_468 = arith.index_cast %add3A_450 : i32 to index
        %swap3A_469 = arith.constant 16 : index
        %swap3A_470 = tpu.vector_load %arg8[%swap3A_467, %swap3A_468, %swap3A_469] {strides = array<i32>} : memref<4x200x64xf32, #tpu.memory_space<vmem>>, vector<1x1x16xf32>,
        %swap3A_471 = vector.shape_cast %swap3A_470 : vector<1x1x16xf32> to vector<16xf32>
        %swap3A_472 = vector.shape_cast %get3A_465 : vector<16xf32> to vector<1x1x16xf32>
        tpu.vector_store %arg8[%swap3A_467, %swap3A_468, %swap3A_469], %swap3A_472 {add = true, strides = array<i32>} : memref<4x200x64xf32, #tpu.memory_space<vmem>>, vector<1x1x16xf32>,
        %get3A_473 = arith.index_cast %add3A_450 : i32 to index
        %get3A_474 = arith.constant 32 : index
        %get3A_475 = tpu.vector_load %arg7[%get3A_473, %get3A_474] {strides = array<i32>} : memref<200x64xf32, #tpu.memory_space<vmem>>, vector<1x16xf32>,
        %get3A_476 = vector.shape_cast %get3A_475 : vector<1x16xf32> to vector<16xf32>
        %swap3A_477 = arith.constant 2 : i32
        %swap3A_478 = arith.index_cast %swap3A_477 : i32 to index
        %swap3A_479 = arith.index_cast %add3A_450 : i32 to index
        %swap3A_480 = arith.constant 32 : index
        %swap3A_481 = tpu.vector_load %arg8[%swap3A_478, %swap3A_479, %swap3A_480] {strides = array<i32>} : memref<4x200x64xf32, #tpu.memory_space<vmem>>, vector<1x1x16xf32>,
        %swap3A_482 = vector.shape_cast %swap3A_481 : vector<1x1x16xf32> to vector<16xf32>
        %swap3A_483 = vector.shape_cast %get3A_476 : vector<16xf32> to vector<1x1x16xf32>
        tpu.vector_store %arg8[%swap3A_478, %swap3A_479, %swap3A_480], %swap3A_483 {add = true, strides = array<i32>} : memref<4x200x64xf32, #tpu.memory_space<vmem>>, vector<1x1x16xf32>,
        %get3A_484 = arith.index_cast %add3A_450 : i32 to index
        %get3A_485 = arith.constant 48 : index
        %get3A_486 = tpu.vector_load %arg7[%get3A_484, %get3A_485] {strides = array<i32>} : memref<200x64xf32, #tpu.memory_space<vmem>>, vector<1x16xf32>,
        %get3A_487 = vector.shape_cast %get3A_486 : vector<1x16xf32> to vector<16xf32>
        %swap3A_488 = arith.constant 2 : i32
        %swap3A_489 = arith.index_cast %swap3A_488 : i32 to index
        %swap3A_490 = arith.index_cast %add3A_450 : i32 to index
        %swap3A_491 = arith.constant 48 : index
        %swap3A_492 = tpu.vector_load %arg8[%swap3A_489, %swap3A_490, %swap3A_491] {strides = array<i32>} : memref<4x200x64xf32, #tpu.memory_space<vmem>>, vector<1x1x16xf32>,
        %swap3A_493 = vector.shape_cast %swap3A_492 : vector<1x1x16xf32> to vector<16xf32>
        %swap3A_494 = vector.shape_cast %get3A_487 : vector<16xf32> to vector<1x1x16xf32>
        tpu.vector_store %arg8[%swap3A_489, %swap3A_490, %swap3A_491], %swap3A_494 {add = true, strides = array<i32>} : memref<4x200x64xf32, #tpu.memory_space<vmem>>, vector<1x1x16xf32>,
        %mul3A_495 = arith.constant 4 : i32
        %mul3A_496 = arith.muli %scan3A_352, %mul3A_495 : i32
        %add3A_497 = arith.constant 3 : i32
        %add3A_498 = arith.addi %mul3A_496, %add3A_497 : i32
        %get3A_499 = arith.index_cast %add3A_498 : i32 to index
        %get3A_500 = arith.constant 0 : index
        %get3A_501 = tpu.vector_load %arg7[%get3A_499, %get3A_500] {strides = array<i32>} : memref<200x64xf32, #tpu.memory_space<vmem>>, vector<1x16xf32>,
        %get3A_502 = vector.shape_cast %get3A_501 : vector<1x16xf32> to vector<16xf32>
        %swap3A_503 = arith.constant 2 : i32
        %swap3A_504 = arith.index_cast %swap3A_503 : i32 to index
        %swap3A_505 = arith.index_cast %add3A_498 : i32 to index
        %swap3A_506 = arith.constant 0 : index
        %swap3A_507 = tpu.vector_load %arg8[%swap3A_504, %swap3A_505, %swap3A_506] {strides = array<i32>} : memref<4x200x64xf32, #tpu.memory_space<vmem>>, vector<1x1x16xf32>,
        %swap3A_508 = vector.shape_cast %swap3A_507 : vector<1x1x16xf32> to vector<16xf32>
        %swap3A_509 = vector.shape_cast %get3A_502 : vector<16xf32> to vector<1x1x16xf32>
        tpu.vector_store %arg8[%swap3A_504, %swap3A_505, %swap3A_506], %swap3A_509 {add = true, strides = array<i32>} : memref<4x200x64xf32, #tpu.memory_space<vmem>>, vector<1x1x16xf32>,
        %get3A_510 = arith.index_cast %add3A_498 : i32 to index
        %get3A_511 = arith.constant 16 : index
        %get3A_512 = tpu.vector_load %arg7[%get3A_510, %get3A_511] {strides = array<i32>} : memref<200x64xf32, #tpu.memory_space<vmem>>, vector<1x16xf32>,
        %get3A_513 = vector.shape_cast %get3A_512 : vector<1x16xf32> to vector<16xf32>
        %swap3A_514 = arith.constant 2 : i32
        %swap3A_515 = arith.index_cast %swap3A_514 : i32 to index
        %swap3A_516 = arith.index_cast %add3A_498 : i32 to index
        %swap3A_517 = arith.constant 16 : index
        %swap3A_518 = tpu.vector_load %arg8[%swap3A_515, %swap3A_516, %swap3A_517] {strides = array<i32>} : memref<4x200x64xf32, #tpu.memory_space<vmem>>, vector<1x1x16xf32>,
        %swap3A_519 = vector.shape_cast %swap3A_518 : vector<1x1x16xf32> to vector<16xf32>
        %swap3A_520 = vector.shape_cast %get3A_513 : vector<16xf32> to vector<1x1x16xf32>
        tpu.vector_store %arg8[%swap3A_515, %swap3A_516, %swap3A_517], %swap3A_520 {add = true, strides = array<i32>} : memref<4x200x64xf32, #tpu.memory_space<vmem>>, vector<1x1x16xf32>,
        %get3A_521 = arith.index_cast %add3A_498 : i32 to index
        %get3A_522 = arith.constant 32 : index
        %get3A_523 = tpu.vector_load %arg7[%get3A_521, %get3A_522] {strides = array<i32>} : memref<200x64xf32, #tpu.memory_space<vmem>>, vector<1x16xf32>,
        %get3A_524 = vector.shape_cast %get3A_523 : vector<1x16xf32> to vector<16xf32>
        %swap3A_525 = arith.constant 2 : i32
        %swap3A_526 = arith.index_cast %swap3A_525 : i32 to index
        %swap3A_527 = arith.index_cast %add3A_498 : i32 to index
        %swap3A_528 = arith.constant 32 : index
        %swap3A_529 = tpu.vector_load %arg8[%swap3A_526, %swap3A_527, %swap3A_528] {strides = array<i32>} : memref<4x200x64xf32, #tpu.memory_space<vmem>>, vector<1x1x16xf32>,
        %swap3A_530 = vector.shape_cast %swap3A_529 : vector<1x1x16xf32> to vector<16xf32>
        %swap3A_531 = vector.shape_cast %get3A_524 : vector<16xf32> to vector<1x1x16xf32>
        tpu.vector_store %arg8[%swap3A_526, %swap3A_527, %swap3A_528], %swap3A_531 {add = true, strides = array<i32>} : memref<4x200x64xf32, #tpu.memory_space<vmem>>, vector<1x1x16xf32>,
        %get3A_532 = arith.index_cast %add3A_498 : i32 to index
        %get3A_533 = arith.constant 48 : index
        %get3A_534 = tpu.vector_load %arg7[%get3A_532, %get3A_533] {strides = array<i32>} : memref<200x64xf32, #tpu.memory_space<vmem>>, vector<1x16xf32>,
        %get3A_535 = vector.shape_cast %get3A_534 : vector<1x16xf32> to vector<16xf32>
        %swap3A_536 = arith.constant 2 : i32
        %swap3A_537 = arith.index_cast %swap3A_536 : i32 to index
        %swap3A_538 = arith.index_cast %add3A_498 : i32 to index
        %swap3A_539 = arith.constant 48 : index
        %swap3A_540 = tpu.vector_load %arg8[%swap3A_537, %swap3A_538, %swap3A_539] {strides = array<i32>} : memref<4x200x64xf32, #tpu.memory_space<vmem>>, vector<1x1x16xf32>,
        %swap3A_541 = vector.shape_cast %swap3A_540 : vector<1x1x16xf32> to vector<16xf32>
        %swap3A_542 = vector.shape_cast %get3A_535 : vector<16xf32> to vector<1x1x16xf32>
        tpu.vector_store %arg8[%swap3A_537, %swap3A_538, %swap3A_539], %swap3A_542 {add = true, strides = array<i32>} : memref<4x200x64xf32, #tpu.memory_space<vmem>>, vector<1x1x16xf32>,
      }
      %scan3A_240 = arith.constant 50 : i32
      %add3A_241 = arith.addi %mul3A_2, %add3A_205 : i32
      %dma_start3A_242 = arith.constant 2 : i32
      %dma_start3A_243 = arith.constant 0 : i32
      %dma_start3A_244 = arith.constant 0 : i32
      %dma_start3A_245 = tpu.memref_slice %arg8[%dma_start3A_242, %dma_start3A_243, %dma_start3A_244] : memref<4x200x64xf32, #tpu.memory_space<vmem>> -> memref<1x200x64xf32, #tpu.memory_space<vmem>>
      %dma_start3A_246 = tpu.memref_squeeze %dma_start3A_245 : memref<1x200x64xf32, #tpu.memory_space<vmem>> -> memref<200x64xf32, #tpu.memory_space<vmem>>
      %dma_start3A_247 = arith.constant 0 : i32
      %dma_start3A_248 = arith.constant 0 : i32
      %dma_start3A_249 = tpu.memref_slice %arg5[%add3A_241, %dma_start3A_247, %dma_start3A_248] : memref<4096x200x64xf32, #tpu.memory_space<hbm>> -> memref<1x200x64xf32, #tpu.memory_space<hbm>>
      %dma_start3A_250 = tpu.memref_squeeze %dma_start3A_249 : memref<1x200x64xf32, #tpu.memory_space<hbm>> -> memref<200x64xf32, #tpu.memory_space<hbm>>
      %dma_start3A_251 = arith.constant 0 : i32
      %dma_start3A_252 = arith.constant 0 : i32
      %dma_start3A_253 = tpu.memref_slice %arg5[%add3A_241, %dma_start3A_251, %dma_start3A_252] : memref<4096x200x64xf32, #tpu.memory_space<hbm>> -> memref<1x200x64xf32, #tpu.memory_space<hbm>>
      %dma_start3A_254 = tpu.memref_squeeze %dma_start3A_253 : memref<1x200x64xf32, #tpu.memory_space<hbm>> -> memref<200x64xf32, #tpu.memory_space<hbm>>
      %dma_start3A_255 = arith.constant 0 : i32
      %dma_start3A_256 = arith.constant 0 : i32
      %dma_start3A_257 = tpu.memref_slice %arg8[%dma_start3A_242, %dma_start3A_255, %dma_start3A_256] : memref<4x200x64xf32, #tpu.memory_space<vmem>> -> memref<1x200x64xf32, #tpu.memory_space<vmem>>
      %dma_start3A_258 = tpu.memref_squeeze %dma_start3A_257 : memref<1x200x64xf32, #tpu.memory_space<vmem>> -> memref<200x64xf32, #tpu.memory_space<vmem>>
      tpu.enqueue_dma source(%dma_start3A_258 : memref<200x64xf32, #tpu.memory_space<vmem>>) target(%dma_start3A_254 : memref<200x64xf32, #tpu.memory_space<hbm>>) target_semaphore(%arg15 : memref<!tpu.dma_semaphore, #tpu.memory_space<semaphore_mem>>)
      %add3A_259 = arith.addi %mul3A_2, %add3A_205 : i32
      %dma_wait3A_260 = arith.constant 2 : i32
      %dma_wait3A_261 = arith.constant 0 : i32
      %dma_wait3A_262 = arith.constant 0 : i32
      %dma_wait3A_263 = tpu.memref_slice %arg8[%dma_wait3A_260, %dma_wait3A_261, %dma_wait3A_262] : memref<4x200x64xf32, #tpu.memory_space<vmem>> -> memref<1x200x64xf32, #tpu.memory_space<vmem>>
      %dma_wait3A_264 = tpu.memref_squeeze %dma_wait3A_263 : memref<1x200x64xf32, #tpu.memory_space<vmem>> -> memref<200x64xf32, #tpu.memory_space<vmem>>
      %dma_wait3A_265 = arith.constant 0 : i32
      %dma_wait3A_266 = arith.constant 0 : i32
      %dma_wait3A_267 = tpu.memref_slice %arg5[%add3A_259, %dma_wait3A_265, %dma_wait3A_266] : memref<4096x200x64xf32, #tpu.memory_space<hbm>> -> memref<1x200x64xf32, #tpu.memory_space<hbm>>
      %dma_wait3A_268 = tpu.memref_squeeze %dma_wait3A_267 : memref<1x200x64xf32, #tpu.memory_space<hbm>> -> memref<200x64xf32, #tpu.memory_space<hbm>>
      %dma_wait3A_269 = arith.constant 0 : i32
      %dma_wait3A_270 = arith.constant 0 : i32
      %dma_wait3A_271 = tpu.memref_slice %arg5[%add3A_259, %dma_wait3A_269, %dma_wait3A_270] : memref<4096x200x64xf32, #tpu.memory_space<hbm>> -> memref<1x200x64xf32, #tpu.memory_space<hbm>>
      %dma_wait3A_272 = tpu.memref_squeeze %dma_wait3A_271 : memref<1x200x64xf32, #tpu.memory_space<hbm>> -> memref<200x64xf32, #tpu.memory_space<hbm>>
      %dma_wait3A_273 = arith.constant 0 : i32
      %dma_wait3A_274 = arith.constant 0 : i32
      %dma_wait3A_275 = tpu.memref_slice %arg8[%dma_wait3A_260, %dma_wait3A_273, %dma_wait3A_274] : memref<4x200x64xf32, #tpu.memory_space<vmem>> -> memref<1x200x64xf32, #tpu.memory_space<vmem>>
      %dma_wait3A_276 = tpu.memref_squeeze %dma_wait3A_275 : memref<1x200x64xf32, #tpu.memory_space<vmem>> -> memref<200x64xf32, #tpu.memory_space<vmem>>
      tpu.wait_dma2 semaphore(%arg15 : memref<!tpu.dma_semaphore, #tpu.memory_space<semaphore_mem>>) src(%dma_wait3A_276 : memref<200x64xf32, #tpu.memory_space<vmem>>) dst(%dma_wait3A_272 : memref<200x64xf32, #tpu.memory_space<hbm>>)
      %mul3A_277 = arith.constant 4 : i32
      %mul3A_278 = arith.muli %scan3A_55, %mul3A_277 : i32
      %add3A_279 = arith.constant 3 : i32
      %add3A_280 = arith.addi %mul3A_278, %add3A_279 : i32
      %dma_wait3A_281 = arith.constant 3 : i32
      %dma_wait3A_282 = arith.constant 0 : i32
      %dma_wait3A_283 = arith.constant 0 : i32
      %dma_wait3A_284 = tpu.memref_slice %arg8[%dma_wait3A_281, %dma_wait3A_282, %dma_wait3A_283] : memref<4x200x64xf32, #tpu.memory_space<vmem>> -> memref<1x104x64xf32, #tpu.memory_space<vmem>>
      %dma_wait3A_285 = tpu.memref_squeeze %dma_wait3A_284 : memref<1x104x64xf32, #tpu.memory_space<vmem>> -> memref<104x64xf32, #tpu.memory_space<vmem>>
      %dma_wait3A_286 = arith.constant 0 : i32
      %dma_wait3A_287 = tpu.memref_slice %arg6[%add3A_280, %dma_wait3A_286] : memref<128x200xi32, #tpu.memory_space<vmem>> -> memref<1x104xi32, #tpu.memory_space<vmem>>
      %dma_wait3A_288 = tpu.memref_squeeze %dma_wait3A_287 : memref<1x104xi32, #tpu.memory_space<vmem>> -> memref<104xi32, #tpu.memory_space<vmem>>
      %dma_wait3A_289 = arith.constant 0 : i32
      %dma_wait3A_290 = arith.constant 0 : i32
      %dma_wait3A_291 = tpu.memref_slice %arg2[%dma_wait3A_289, %dma_wait3A_290] : memref<1000000x64xf32, #tpu.memory_space<hbm>> -> memref<1000000x64xf32, #tpu.memory_space<hbm>>
      tpu.wait_indirect_dma semaphore(%arg12 : memref<!tpu.dma_semaphore, #tpu.memory_space<semaphore_mem>>) src(%dma_wait3A_291 : memref<1000000x64xf32, #tpu.memory_space<hbm>>) dst(%dma_wait3A_285 : memref<104x64xf32, #tpu.memory_space<vmem>>)
      %dma_wait3A_292 = arith.constant 3 : i32
      %dma_wait3A_293 = arith.constant 104 : i32
      %dma_wait3A_294 = arith.constant 0 : i32
      %dma_wait3A_295 = tpu.memref_slice %arg8[%dma_wait3A_292, %dma_wait3A_293, %dma_wait3A_294] : memref<4x200x64xf32, #tpu.memory_space<vmem>> -> memref<1x96x64xf32, #tpu.memory_space<vmem>>
      %dma_wait3A_296 = tpu.memref_squeeze %dma_wait3A_295 : memref<1x96x64xf32, #tpu.memory_space<vmem>> -> memref<96x64xf32, #tpu.memory_space<vmem>>
      %dma_wait3A_297 = arith.constant 104 : i32
      %dma_wait3A_298 = tpu.memref_slice %arg6[%add3A_280, %dma_wait3A_297] : memref<128x200xi32, #tpu.memory_space<vmem>> -> memref<1x96xi32, #tpu.memory_space<vmem>>
      %dma_wait3A_299 = tpu.memref_squeeze %dma_wait3A_298 : memref<1x96xi32, #tpu.memory_space<vmem>> -> memref<96xi32, #tpu.memory_space<vmem>>
      %dma_wait3A_300 = arith.constant 0 : i32
      %dma_wait3A_301 = arith.constant 0 : i32
      %dma_wait3A_302 = tpu.memref_slice %arg2[%dma_wait3A_300, %dma_wait3A_301] : memref<1000000x64xf32, #tpu.memory_space<hbm>> -> memref<1000000x64xf32, #tpu.memory_space<hbm>>
      tpu.wait_indirect_dma semaphore(%arg12 : memref<!tpu.dma_semaphore, #tpu.memory_space<semaphore_mem>>) src(%dma_wait3A_302 : memref<1000000x64xf32, #tpu.memory_space<hbm>>) dst(%dma_wait3A_296 : memref<96x64xf32, #tpu.memory_space<vmem>>)
      %add3A_303 = arith.constant 2 : i32
      %add3A_304 = arith.addi %add3A_280, %add3A_303 : i32
      %lt3A_305 = arith.constant 128 : i32
      %lt3A_306 = arith.cmpi slt, %add3A_304, %lt3A_305 : i32
      %convert_element_type3A_307 = arith.extui %lt3A_306 : i1 to i32
      %cond3A_308 = arith.constant 0 : i32
      %cond3A_309 = arith.cmpi ne, %convert_element_type3A_307, %cond3A_308 : i32
      scf.if %cond3A_309 {
        %add3A_352 = arith.constant 2 : i32
        %add3A_353 = arith.addi %add3A_280, %add3A_352 : i32
        %dma_start3A_354 = arith.constant 1 : i32
        %dma_start3A_355 = arith.constant 0 : i32
        %dma_start3A_356 = arith.constant 0 : i32
        %dma_start3A_357 = tpu.memref_slice %arg8[%dma_start3A_354, %dma_start3A_355, %dma_start3A_356] : memref<4x200x64xf32, #tpu.memory_space<vmem>> -> memref<1x104x64xf32, #tpu.memory_space<vmem>>
        %dma_start3A_358 = tpu.memref_squeeze %dma_start3A_357 : memref<1x104x64xf32, #tpu.memory_space<vmem>> -> memref<104x64xf32, #tpu.memory_space<vmem>>
        %dma_start3A_359 = arith.constant 0 : i32
        %dma_start3A_360 = tpu.memref_slice %arg6[%add3A_353, %dma_start3A_359] : memref<128x200xi32, #tpu.memory_space<vmem>> -> memref<1x104xi32, #tpu.memory_space<vmem>>
        %dma_start3A_361 = tpu.memref_squeeze %dma_start3A_360 : memref<1x104xi32, #tpu.memory_space<vmem>> -> memref<104xi32, #tpu.memory_space<vmem>>
        %dma_start3A_362 = arith.constant 0 : i32
        %dma_start3A_363 = arith.constant 0 : i32
        %dma_start3A_364 = tpu.memref_slice %arg2[%dma_start3A_362, %dma_start3A_363] : memref<1000000x64xf32, #tpu.memory_space<hbm>> -> memref<1000000x64xf32, #tpu.memory_space<hbm>>
        tpu.enqueue_indirect_dma source(%dma_start3A_364 : memref<1000000x64xf32, #tpu.memory_space<hbm>>) target(%dma_start3A_358 : memref<104x64xf32, #tpu.memory_space<vmem>>) offsets(%dma_start3A_361 : memref<104xi32, #tpu.memory_space<vmem>>) semaphore(%arg10 : memref<!tpu.dma_semaphore, #tpu.memory_space<semaphore_mem>>)
        %dma_start3A_365 = arith.constant 1 : i32
        %dma_start3A_366 = arith.constant 104 : i32
        %dma_start3A_367 = arith.constant 0 : i32
        %dma_start3A_368 = tpu.memref_slice %arg8[%dma_start3A_365, %dma_start3A_366, %dma_start3A_367] : memref<4x200x64xf32, #tpu.memory_space<vmem>> -> memref<1x96x64xf32, #tpu.memory_space<vmem>>
        %dma_start3A_369 = tpu.memref_squeeze %dma_start3A_368 : memref<1x96x64xf32, #tpu.memory_space<vmem>> -> memref<96x64xf32, #tpu.memory_space<vmem>>
        %dma_start3A_370 = arith.constant 104 : i32
        %dma_start3A_371 = tpu.memref_slice %arg6[%add3A_353, %dma_start3A_370] : memref<128x200xi32, #tpu.memory_space<vmem>> -> memref<1x96xi32, #tpu.memory_space<vmem>>
        %dma_start3A_372 = tpu.memref_squeeze %dma_start3A_371 : memref<1x96xi32, #tpu.memory_space<vmem>> -> memref<96xi32, #tpu.memory_space<vmem>>
        %dma_start3A_373 = arith.constant 0 : i32
        %dma_start3A_374 = arith.constant 0 : i32
        %dma_start3A_375 = tpu.memref_slice %arg2[%dma_start3A_373, %dma_start3A_374] : memref<1000000x64xf32, #tpu.memory_space<hbm>> -> memref<1000000x64xf32, #tpu.memory_space<hbm>>
        tpu.enqueue_indirect_dma source(%dma_start3A_375 : memref<1000000x64xf32, #tpu.memory_space<hbm>>) target(%dma_start3A_369 : memref<96x64xf32, #tpu.memory_space<vmem>>) offsets(%dma_start3A_372 : memref<96xi32, #tpu.memory_space<vmem>>) semaphore(%arg10 : memref<!tpu.dma_semaphore, #tpu.memory_space<semaphore_mem>>)
      } else {
      }
      %scan3A_310 = arith.constant 0 : i32
      %scan3A_311 = arith.constant 0 : i32
      %scan3A_312 = arith.constant 50 : i32
      %scan3A_313 = arith.addi %scan3A_311, %scan3A_312 : i32
      %scan3A_314 = arith.constant 1 : i32
      scf.for %scan3A_352 = %scan3A_311 to %scan3A_313 step %scan3A_314  : i32 {
        %mul3A_353 = arith.constant 4 : i32
        %mul3A_354 = arith.muli %scan3A_352, %mul3A_353 : i32
        %add3A_355 = arith.constant 0 : i32
        %add3A_356 = arith.addi %mul3A_354, %add3A_355 : i32
        %get3A = arith.index_cast %add3A_356 : i32 to index
        %get3A_357 = arith.constant 0 : index
        %get3A_358 = tpu.vector_load %arg7[%get3A, %get3A_357] {strides = array<i32>} : memref<200x64xf32, #tpu.memory_space<vmem>>, vector<1x16xf32>,
        %get3A_359 = vector.shape_cast %get3A_358 : vector<1x16xf32> to vector<16xf32>
        %swap3A = arith.constant 3 : i32
        %swap3A_360 = arith.index_cast %swap3A : i32 to index
        %swap3A_361 = arith.index_cast %add3A_356 : i32 to index
        %swap3A_362 = arith.constant 0 : index
        %swap3A_363 = tpu.vector_load %arg8[%swap3A_360, %swap3A_361, %swap3A_362] {strides = array<i32>} : memref<4x200x64xf32, #tpu.memory_space<vmem>>, vector<1x1x16xf32>,
        %swap3A_364 = vector.shape_cast %swap3A_363 : vector<1x1x16xf32> to vector<16xf32>
        %swap3A_365 = vector.shape_cast %get3A_359 : vector<16xf32> to vector<1x1x16xf32>
        tpu.vector_store %arg8[%swap3A_360, %swap3A_361, %swap3A_362], %swap3A_365 {add = true, strides = array<i32>} : memref<4x200x64xf32, #tpu.memory_space<vmem>>, vector<1x1x16xf32>,
        %get3A_366 = arith.index_cast %add3A_356 : i32 to index
        %get3A_367 = arith.constant 16 : index
        %get3A_368 = tpu.vector_load %arg7[%get3A_366, %get3A_367] {strides = array<i32>} : memref<200x64xf32, #tpu.memory_space<vmem>>, vector<1x16xf32>,
        %get3A_369 = vector.shape_cast %get3A_368 : vector<1x16xf32> to vector<16xf32>
        %swap3A_370 = arith.constant 3 : i32
        %swap3A_371 = arith.index_cast %swap3A_370 : i32 to index
        %swap3A_372 = arith.index_cast %add3A_356 : i32 to index
        %swap3A_373 = arith.constant 16 : index
        %swap3A_374 = tpu.vector_load %arg8[%swap3A_371, %swap3A_372, %swap3A_373] {strides = array<i32>} : memref<4x200x64xf32, #tpu.memory_space<vmem>>, vector<1x1x16xf32>,
        %swap3A_375 = vector.shape_cast %swap3A_374 : vector<1x1x16xf32> to vector<16xf32>
        %swap3A_376 = vector.shape_cast %get3A_369 : vector<16xf32> to vector<1x1x16xf32>
        tpu.vector_store %arg8[%swap3A_371, %swap3A_372, %swap3A_373], %swap3A_376 {add = true, strides = array<i32>} : memref<4x200x64xf32, #tpu.memory_space<vmem>>, vector<1x1x16xf32>,
        %get3A_377 = arith.index_cast %add3A_356 : i32 to index
        %get3A_378 = arith.constant 32 : index
        %get3A_379 = tpu.vector_load %arg7[%get3A_377, %get3A_378] {strides = array<i32>} : memref<200x64xf32, #tpu.memory_space<vmem>>, vector<1x16xf32>,
        %get3A_380 = vector.shape_cast %get3A_379 : vector<1x16xf32> to vector<16xf32>
        %swap3A_381 = arith.constant 3 : i32
        %swap3A_382 = arith.index_cast %swap3A_381 : i32 to index
        %swap3A_383 = arith.index_cast %add3A_356 : i32 to index
        %swap3A_384 = arith.constant 32 : index
        %swap3A_385 = tpu.vector_load %arg8[%swap3A_382, %swap3A_383, %swap3A_384] {strides = array<i32>} : memref<4x200x64xf32, #tpu.memory_space<vmem>>, vector<1x1x16xf32>,
        %swap3A_386 = vector.shape_cast %swap3A_385 : vector<1x1x16xf32> to vector<16xf32>
        %swap3A_387 = vector.shape_cast %get3A_380 : vector<16xf32> to vector<1x1x16xf32>
        tpu.vector_store %arg8[%swap3A_382, %swap3A_383, %swap3A_384], %swap3A_387 {add = true, strides = array<i32>} : memref<4x200x64xf32, #tpu.memory_space<vmem>>, vector<1x1x16xf32>,
        %get3A_388 = arith.index_cast %add3A_356 : i32 to index
        %get3A_389 = arith.constant 48 : index
        %get3A_390 = tpu.vector_load %arg7[%get3A_388, %get3A_389] {strides = array<i32>} : memref<200x64xf32, #tpu.memory_space<vmem>>, vector<1x16xf32>,
        %get3A_391 = vector.shape_cast %get3A_390 : vector<1x16xf32> to vector<16xf32>
        %swap3A_392 = arith.constant 3 : i32
        %swap3A_393 = arith.index_cast %swap3A_392 : i32 to index
        %swap3A_394 = arith.index_cast %add3A_356 : i32 to index
        %swap3A_395 = arith.constant 48 : index
        %swap3A_396 = tpu.vector_load %arg8[%swap3A_393, %swap3A_394, %swap3A_395] {strides = array<i32>} : memref<4x200x64xf32, #tpu.memory_space<vmem>>, vector<1x1x16xf32>,
        %swap3A_397 = vector.shape_cast %swap3A_396 : vector<1x1x16xf32> to vector<16xf32>
        %swap3A_398 = vector.shape_cast %get3A_391 : vector<16xf32> to vector<1x1x16xf32>
        tpu.vector_store %arg8[%swap3A_393, %swap3A_394, %swap3A_395], %swap3A_398 {add = true, strides = array<i32>} : memref<4x200x64xf32, #tpu.memory_space<vmem>>, vector<1x1x16xf32>,
        %mul3A_399 = arith.constant 4 : i32
        %mul3A_400 = arith.muli %scan3A_352, %mul3A_399 : i32
        %add3A_401 = arith.constant 1 : i32
        %add3A_402 = arith.addi %mul3A_400, %add3A_401 : i32
        %get3A_403 = arith.index_cast %add3A_402 : i32 to index
        %get3A_404 = arith.constant 0 : index
        %get3A_405 = tpu.vector_load %arg7[%get3A_403, %get3A_404] {strides = array<i32>} : memref<200x64xf32, #tpu.memory_space<vmem>>, vector<1x16xf32>,
        %get3A_406 = vector.shape_cast %get3A_405 : vector<1x16xf32> to vector<16xf32>
        %swap3A_407 = arith.constant 3 : i32
        %swap3A_408 = arith.index_cast %swap3A_407 : i32 to index
        %swap3A_409 = arith.index_cast %add3A_402 : i32 to index
        %swap3A_410 = arith.constant 0 : index
        %swap3A_411 = tpu.vector_load %arg8[%swap3A_408, %swap3A_409, %swap3A_410] {strides = array<i32>} : memref<4x200x64xf32, #tpu.memory_space<vmem>>, vector<1x1x16xf32>,
        %swap3A_412 = vector.shape_cast %swap3A_411 : vector<1x1x16xf32> to vector<16xf32>
        %swap3A_413 = vector.shape_cast %get3A_406 : vector<16xf32> to vector<1x1x16xf32>
        tpu.vector_store %arg8[%swap3A_408, %swap3A_409, %swap3A_410], %swap3A_413 {add = true, strides = array<i32>} : memref<4x200x64xf32, #tpu.memory_space<vmem>>, vector<1x1x16xf32>,
        %get3A_414 = arith.index_cast %add3A_402 : i32 to index
        %get3A_415 = arith.constant 16 : index
        %get3A_416 = tpu.vector_load %arg7[%get3A_414, %get3A_415] {strides = array<i32>} : memref<200x64xf32, #tpu.memory_space<vmem>>, vector<1x16xf32>,
        %get3A_417 = vector.shape_cast %get3A_416 : vector<1x16xf32> to vector<16xf32>
        %swap3A_418 = arith.constant 3 : i32
        %swap3A_419 = arith.index_cast %swap3A_418 : i32 to index
        %swap3A_420 = arith.index_cast %add3A_402 : i32 to index
        %swap3A_421 = arith.constant 16 : index
        %swap3A_422 = tpu.vector_load %arg8[%swap3A_419, %swap3A_420, %swap3A_421] {strides = array<i32>} : memref<4x200x64xf32, #tpu.memory_space<vmem>>, vector<1x1x16xf32>,
        %swap3A_423 = vector.shape_cast %swap3A_422 : vector<1x1x16xf32> to vector<16xf32>
        %swap3A_424 = vector.shape_cast %get3A_417 : vector<16xf32> to vector<1x1x16xf32>
        tpu.vector_store %arg8[%swap3A_419, %swap3A_420, %swap3A_421], %swap3A_424 {add = true, strides = array<i32>} : memref<4x200x64xf32, #tpu.memory_space<vmem>>, vector<1x1x16xf32>,
        %get3A_425 = arith.index_cast %add3A_402 : i32 to index
        %get3A_426 = arith.constant 32 : index
        %get3A_427 = tpu.vector_load %arg7[%get3A_425, %get3A_426] {strides = array<i32>} : memref<200x64xf32, #tpu.memory_space<vmem>>, vector<1x16xf32>,
        %get3A_428 = vector.shape_cast %get3A_427 : vector<1x16xf32> to vector<16xf32>
        %swap3A_429 = arith.constant 3 : i32
        %swap3A_430 = arith.index_cast %swap3A_429 : i32 to index
        %swap3A_431 = arith.index_cast %add3A_402 : i32 to index
        %swap3A_432 = arith.constant 32 : index
        %swap3A_433 = tpu.vector_load %arg8[%swap3A_430, %swap3A_431, %swap3A_432] {strides = array<i32>} : memref<4x200x64xf32, #tpu.memory_space<vmem>>, vector<1x1x16xf32>,
        %swap3A_434 = vector.shape_cast %swap3A_433 : vector<1x1x16xf32> to vector<16xf32>
        %swap3A_435 = vector.shape_cast %get3A_428 : vector<16xf32> to vector<1x1x16xf32>
        tpu.vector_store %arg8[%swap3A_430, %swap3A_431, %swap3A_432], %swap3A_435 {add = true, strides = array<i32>} : memref<4x200x64xf32, #tpu.memory_space<vmem>>, vector<1x1x16xf32>,
        %get3A_436 = arith.index_cast %add3A_402 : i32 to index
        %get3A_437 = arith.constant 48 : index
        %get3A_438 = tpu.vector_load %arg7[%get3A_436, %get3A_437] {strides = array<i32>} : memref<200x64xf32, #tpu.memory_space<vmem>>, vector<1x16xf32>,
        %get3A_439 = vector.shape_cast %get3A_438 : vector<1x16xf32> to vector<16xf32>
        %swap3A_440 = arith.constant 3 : i32
        %swap3A_441 = arith.index_cast %swap3A_440 : i32 to index
        %swap3A_442 = arith.index_cast %add3A_402 : i32 to index
        %swap3A_443 = arith.constant 48 : index
        %swap3A_444 = tpu.vector_load %arg8[%swap3A_441, %swap3A_442, %swap3A_443] {strides = array<i32>} : memref<4x200x64xf32, #tpu.memory_space<vmem>>, vector<1x1x16xf32>,
        %swap3A_445 = vector.shape_cast %swap3A_444 : vector<1x1x16xf32> to vector<16xf32>
        %swap3A_446 = vector.shape_cast %get3A_439 : vector<16xf32> to vector<1x1x16xf32>
        tpu.vector_store %arg8[%swap3A_441, %swap3A_442, %swap3A_443], %swap3A_446 {add = true, strides = array<i32>} : memref<4x200x64xf32, #tpu.memory_space<vmem>>, vector<1x1x16xf32>,
        %mul3A_447 = arith.constant 4 : i32
        %mul3A_448 = arith.muli %scan3A_352, %mul3A_447 : i32
        %add3A_449 = arith.constant 2 : i32
        %add3A_450 = arith.addi %mul3A_448, %add3A_449 : i32
        %get3A_451 = arith.index_cast %add3A_450 : i32 to index
        %get3A_452 = arith.constant 0 : index
        %get3A_453 = tpu.vector_load %arg7[%get3A_451, %get3A_452] {strides = array<i32>} : memref<200x64xf32, #tpu.memory_space<vmem>>, vector<1x16xf32>,
        %get3A_454 = vector.shape_cast %get3A_453 : vector<1x16xf32> to vector<16xf32>
        %swap3A_455 = arith.constant 3 : i32
        %swap3A_456 = arith.index_cast %swap3A_455 : i32 to index
        %swap3A_457 = arith.index_cast %add3A_450 : i32 to index
        %swap3A_458 = arith.constant 0 : index
        %swap3A_459 = tpu.vector_load %arg8[%swap3A_456, %swap3A_457, %swap3A_458] {strides = array<i32>} : memref<4x200x64xf32, #tpu.memory_space<vmem>>, vector<1x1x16xf32>,
        %swap3A_460 = vector.shape_cast %swap3A_459 : vector<1x1x16xf32> to vector<16xf32>
        %swap3A_461 = vector.shape_cast %get3A_454 : vector<16xf32> to vector<1x1x16xf32>
        tpu.vector_store %arg8[%swap3A_456, %swap3A_457, %swap3A_458], %swap3A_461 {add = true, strides = array<i32>} : memref<4x200x64xf32, #tpu.memory_space<vmem>>, vector<1x1x16xf32>,
        %get3A_462 = arith.index_cast %add3A_450 : i32 to index
        %get3A_463 = arith.constant 16 : index
        %get3A_464 = tpu.vector_load %arg7[%get3A_462, %get3A_463] {strides = array<i32>} : memref<200x64xf32, #tpu.memory_space<vmem>>, vector<1x16xf32>,
        %get3A_465 = vector.shape_cast %get3A_464 : vector<1x16xf32> to vector<16xf32>
        %swap3A_466 = arith.constant 3 : i32
        %swap3A_467 = arith.index_cast %swap3A_466 : i32 to index
        %swap3A_468 = arith.index_cast %add3A_450 : i32 to index
        %swap3A_469 = arith.constant 16 : index
        %swap3A_470 = tpu.vector_load %arg8[%swap3A_467, %swap3A_468, %swap3A_469] {strides = array<i32>} : memref<4x200x64xf32, #tpu.memory_space<vmem>>, vector<1x1x16xf32>,
        %swap3A_471 = vector.shape_cast %swap3A_470 : vector<1x1x16xf32> to vector<16xf32>
        %swap3A_472 = vector.shape_cast %get3A_465 : vector<16xf32> to vector<1x1x16xf32>
        tpu.vector_store %arg8[%swap3A_467, %swap3A_468, %swap3A_469], %swap3A_472 {add = true, strides = array<i32>} : memref<4x200x64xf32, #tpu.memory_space<vmem>>, vector<1x1x16xf32>,
        %get3A_473 = arith.index_cast %add3A_450 : i32 to index
        %get3A_474 = arith.constant 32 : index
        %get3A_475 = tpu.vector_load %arg7[%get3A_473, %get3A_474] {strides = array<i32>} : memref<200x64xf32, #tpu.memory_space<vmem>>, vector<1x16xf32>,
        %get3A_476 = vector.shape_cast %get3A_475 : vector<1x16xf32> to vector<16xf32>
        %swap3A_477 = arith.constant 3 : i32
        %swap3A_478 = arith.index_cast %swap3A_477 : i32 to index
        %swap3A_479 = arith.index_cast %add3A_450 : i32 to index
        %swap3A_480 = arith.constant 32 : index
        %swap3A_481 = tpu.vector_load %arg8[%swap3A_478, %swap3A_479, %swap3A_480] {strides = array<i32>} : memref<4x200x64xf32, #tpu.memory_space<vmem>>, vector<1x1x16xf32>,
        %swap3A_482 = vector.shape_cast %swap3A_481 : vector<1x1x16xf32> to vector<16xf32>
        %swap3A_483 = vector.shape_cast %get3A_476 : vector<16xf32> to vector<1x1x16xf32>
        tpu.vector_store %arg8[%swap3A_478, %swap3A_479, %swap3A_480], %swap3A_483 {add = true, strides = array<i32>} : memref<4x200x64xf32, #tpu.memory_space<vmem>>, vector<1x1x16xf32>,
        %get3A_484 = arith.index_cast %add3A_450 : i32 to index
        %get3A_485 = arith.constant 48 : index
        %get3A_486 = tpu.vector_load %arg7[%get3A_484, %get3A_485] {strides = array<i32>} : memref<200x64xf32, #tpu.memory_space<vmem>>, vector<1x16xf32>,
        %get3A_487 = vector.shape_cast %get3A_486 : vector<1x16xf32> to vector<16xf32>
        %swap3A_488 = arith.constant 3 : i32
        %swap3A_489 = arith.index_cast %swap3A_488 : i32 to index
        %swap3A_490 = arith.index_cast %add3A_450 : i32 to index
        %swap3A_491 = arith.constant 48 : index
        %swap3A_492 = tpu.vector_load %arg8[%swap3A_489, %swap3A_490, %swap3A_491] {strides = array<i32>} : memref<4x200x64xf32, #tpu.memory_space<vmem>>, vector<1x1x16xf32>,
        %swap3A_493 = vector.shape_cast %swap3A_492 : vector<1x1x16xf32> to vector<16xf32>
        %swap3A_494 = vector.shape_cast %get3A_487 : vector<16xf32> to vector<1x1x16xf32>
        tpu.vector_store %arg8[%swap3A_489, %swap3A_490, %swap3A_491], %swap3A_494 {add = true, strides = array<i32>} : memref<4x200x64xf32, #tpu.memory_space<vmem>>, vector<1x1x16xf32>,
        %mul3A_495 = arith.constant 4 : i32
        %mul3A_496 = arith.muli %scan3A_352, %mul3A_495 : i32
        %add3A_497 = arith.constant 3 : i32
        %add3A_498 = arith.addi %mul3A_496, %add3A_497 : i32
        %get3A_499 = arith.index_cast %add3A_498 : i32 to index
        %get3A_500 = arith.constant 0 : index
        %get3A_501 = tpu.vector_load %arg7[%get3A_499, %get3A_500] {strides = array<i32>} : memref<200x64xf32, #tpu.memory_space<vmem>>, vector<1x16xf32>,
        %get3A_502 = vector.shape_cast %get3A_501 : vector<1x16xf32> to vector<16xf32>
        %swap3A_503 = arith.constant 3 : i32
        %swap3A_504 = arith.index_cast %swap3A_503 : i32 to index
        %swap3A_505 = arith.index_cast %add3A_498 : i32 to index
        %swap3A_506 = arith.constant 0 : index
        %swap3A_507 = tpu.vector_load %arg8[%swap3A_504, %swap3A_505, %swap3A_506] {strides = array<i32>} : memref<4x200x64xf32, #tpu.memory_space<vmem>>, vector<1x1x16xf32>,
        %swap3A_508 = vector.shape_cast %swap3A_507 : vector<1x1x16xf32> to vector<16xf32>
        %swap3A_509 = vector.shape_cast %get3A_502 : vector<16xf32> to vector<1x1x16xf32>
        tpu.vector_store %arg8[%swap3A_504, %swap3A_505, %swap3A_506], %swap3A_509 {add = true, strides = array<i32>} : memref<4x200x64xf32, #tpu.memory_space<vmem>>, vector<1x1x16xf32>,
        %get3A_510 = arith.index_cast %add3A_498 : i32 to index
        %get3A_511 = arith.constant 16 : index
        %get3A_512 = tpu.vector_load %arg7[%get3A_510, %get3A_511] {strides = array<i32>} : memref<200x64xf32, #tpu.memory_space<vmem>>, vector<1x16xf32>,
        %get3A_513 = vector.shape_cast %get3A_512 : vector<1x16xf32> to vector<16xf32>
        %swap3A_514 = arith.constant 3 : i32
        %swap3A_515 = arith.index_cast %swap3A_514 : i32 to index
        %swap3A_516 = arith.index_cast %add3A_498 : i32 to index
        %swap3A_517 = arith.constant 16 : index
        %swap3A_518 = tpu.vector_load %arg8[%swap3A_515, %swap3A_516, %swap3A_517] {strides = array<i32>} : memref<4x200x64xf32, #tpu.memory_space<vmem>>, vector<1x1x16xf32>,
        %swap3A_519 = vector.shape_cast %swap3A_518 : vector<1x1x16xf32> to vector<16xf32>
        %swap3A_520 = vector.shape_cast %get3A_513 : vector<16xf32> to vector<1x1x16xf32>
        tpu.vector_store %arg8[%swap3A_515, %swap3A_516, %swap3A_517], %swap3A_520 {add = true, strides = array<i32>} : memref<4x200x64xf32, #tpu.memory_space<vmem>>, vector<1x1x16xf32>,
        %get3A_521 = arith.index_cast %add3A_498 : i32 to index
        %get3A_522 = arith.constant 32 : index
        %get3A_523 = tpu.vector_load %arg7[%get3A_521, %get3A_522] {strides = array<i32>} : memref<200x64xf32, #tpu.memory_space<vmem>>, vector<1x16xf32>,
        %get3A_524 = vector.shape_cast %get3A_523 : vector<1x16xf32> to vector<16xf32>
        %swap3A_525 = arith.constant 3 : i32
        %swap3A_526 = arith.index_cast %swap3A_525 : i32 to index
        %swap3A_527 = arith.index_cast %add3A_498 : i32 to index
        %swap3A_528 = arith.constant 32 : index
        %swap3A_529 = tpu.vector_load %arg8[%swap3A_526, %swap3A_527, %swap3A_528] {strides = array<i32>} : memref<4x200x64xf32, #tpu.memory_space<vmem>>, vector<1x1x16xf32>,
        %swap3A_530 = vector.shape_cast %swap3A_529 : vector<1x1x16xf32> to vector<16xf32>
        %swap3A_531 = vector.shape_cast %get3A_524 : vector<16xf32> to vector<1x1x16xf32>
        tpu.vector_store %arg8[%swap3A_526, %swap3A_527, %swap3A_528], %swap3A_531 {add = true, strides = array<i32>} : memref<4x200x64xf32, #tpu.memory_space<vmem>>, vector<1x1x16xf32>,
        %get3A_532 = arith.index_cast %add3A_498 : i32 to index
        %get3A_533 = arith.constant 48 : index
        %get3A_534 = tpu.vector_load %arg7[%get3A_532, %get3A_533] {strides = array<i32>} : memref<200x64xf32, #tpu.memory_space<vmem>>, vector<1x16xf32>,
        %get3A_535 = vector.shape_cast %get3A_534 : vector<1x16xf32> to vector<16xf32>
        %swap3A_536 = arith.constant 3 : i32
        %swap3A_537 = arith.index_cast %swap3A_536 : i32 to index
        %swap3A_538 = arith.index_cast %add3A_498 : i32 to index
        %swap3A_539 = arith.constant 48 : index
        %swap3A_540 = tpu.vector_load %arg8[%swap3A_537, %swap3A_538, %swap3A_539] {strides = array<i32>} : memref<4x200x64xf32, #tpu.memory_space<vmem>>, vector<1x1x16xf32>,
        %swap3A_541 = vector.shape_cast %swap3A_540 : vector<1x1x16xf32> to vector<16xf32>
        %swap3A_542 = vector.shape_cast %get3A_535 : vector<16xf32> to vector<1x1x16xf32>
        tpu.vector_store %arg8[%swap3A_537, %swap3A_538, %swap3A_539], %swap3A_542 {add = true, strides = array<i32>} : memref<4x200x64xf32, #tpu.memory_space<vmem>>, vector<1x1x16xf32>,
      }
      %scan3A_315 = arith.constant 50 : i32
      %add3A_316 = arith.addi %mul3A_2, %add3A_280 : i32
      %dma_start3A_317 = arith.constant 3 : i32
      %dma_start3A_318 = arith.constant 0 : i32
      %dma_start3A_319 = arith.constant 0 : i32
      %dma_start3A_320 = tpu.memref_slice %arg8[%dma_start3A_317, %dma_start3A_318, %dma_start3A_319] : memref<4x200x64xf32, #tpu.memory_space<vmem>> -> memref<1x200x64xf32, #tpu.memory_space<vmem>>
      %dma_start3A_321 = tpu.memref_squeeze %dma_start3A_320 : memref<1x200x64xf32, #tpu.memory_space<vmem>> -> memref<200x64xf32, #tpu.memory_space<vmem>>
      %dma_start3A_322 = arith.constant 0 : i32
      %dma_start3A_323 = arith.constant 0 : i32
      %dma_start3A_324 = tpu.memref_slice %arg5[%add3A_316, %dma_start3A_322, %dma_start3A_323] : memref<4096x200x64xf32, #tpu.memory_space<hbm>> -> memref<1x200x64xf32, #tpu.memory_space<hbm>>
      %dma_start3A_325 = tpu.memref_squeeze %dma_start3A_324 : memref<1x200x64xf32, #tpu.memory_space<hbm>> -> memref<200x64xf32, #tpu.memory_space<hbm>>
      %dma_start3A_326 = arith.constant 0 : i32
      %dma_start3A_327 = arith.constant 0 : i32
      %dma_start3A_328 = tpu.memref_slice %arg5[%add3A_316, %dma_start3A_326, %dma_start3A_327] : memref<4096x200x64xf32, #tpu.memory_space<hbm>> -> memref<1x200x64xf32, #tpu.memory_space<hbm>>
      %dma_start3A_329 = tpu.memref_squeeze %dma_start3A_328 : memref<1x200x64xf32, #tpu.memory_space<hbm>> -> memref<200x64xf32, #tpu.memory_space<hbm>>
      %dma_start3A_330 = arith.constant 0 : i32
      %dma_start3A_331 = arith.constant 0 : i32
      %dma_start3A_332 = tpu.memref_slice %arg8[%dma_start3A_317, %dma_start3A_330, %dma_start3A_331] : memref<4x200x64xf32, #tpu.memory_space<vmem>> -> memref<1x200x64xf32, #tpu.memory_space<vmem>>
      %dma_start3A_333 = tpu.memref_squeeze %dma_start3A_332 : memref<1x200x64xf32, #tpu.memory_space<vmem>> -> memref<200x64xf32, #tpu.memory_space<vmem>>
      tpu.enqueue_dma source(%dma_start3A_333 : memref<200x64xf32, #tpu.memory_space<vmem>>) target(%dma_start3A_329 : memref<200x64xf32, #tpu.memory_space<hbm>>) target_semaphore(%arg16 : memref<!tpu.dma_semaphore, #tpu.memory_space<semaphore_mem>>)
      %add3A_334 = arith.addi %mul3A_2, %add3A_280 : i32
      %dma_wait3A_335 = arith.constant 3 : i32
      %dma_wait3A_336 = arith.constant 0 : i32
      %dma_wait3A_337 = arith.constant 0 : i32
      %dma_wait3A_338 = tpu.memref_slice %arg8[%dma_wait3A_335, %dma_wait3A_336, %dma_wait3A_337] : memref<4x200x64xf32, #tpu.memory_space<vmem>> -> memref<1x200x64xf32, #tpu.memory_space<vmem>>
      %dma_wait3A_339 = tpu.memref_squeeze %dma_wait3A_338 : memref<1x200x64xf32, #tpu.memory_space<vmem>> -> memref<200x64xf32, #tpu.memory_space<vmem>>
      %dma_wait3A_340 = arith.constant 0 : i32
      %dma_wait3A_341 = arith.constant 0 : i32
      %dma_wait3A_342 = tpu.memref_slice %arg5[%add3A_334, %dma_wait3A_340, %dma_wait3A_341] : memref<4096x200x64xf32, #tpu.memory_space<hbm>> -> memref<1x200x64xf32, #tpu.memory_space<hbm>>
      %dma_wait3A_343 = tpu.memref_squeeze %dma_wait3A_342 : memref<1x200x64xf32, #tpu.memory_space<hbm>> -> memref<200x64xf32, #tpu.memory_space<hbm>>
      %dma_wait3A_344 = arith.constant 0 : i32
      %dma_wait3A_345 = arith.constant 0 : i32
      %dma_wait3A_346 = tpu.memref_slice %arg5[%add3A_334, %dma_wait3A_344, %dma_wait3A_345] : memref<4096x200x64xf32, #tpu.memory_space<hbm>> -> memref<1x200x64xf32, #tpu.memory_space<hbm>>
      %dma_wait3A_347 = tpu.memref_squeeze %dma_wait3A_346 : memref<1x200x64xf32, #tpu.memory_space<hbm>> -> memref<200x64xf32, #tpu.memory_space<hbm>>
      %dma_wait3A_348 = arith.constant 0 : i32
      %dma_wait3A_349 = arith.constant 0 : i32
      %dma_wait3A_350 = tpu.memref_slice %arg8[%dma_wait3A_335, %dma_wait3A_348, %dma_wait3A_349] : memref<4x200x64xf32, #tpu.memory_space<vmem>> -> memref<1x200x64xf32, #tpu.memory_space<vmem>>
      %dma_wait3A_351 = tpu.memref_squeeze %dma_wait3A_350 : memref<1x200x64xf32, #tpu.memory_space<vmem>> -> memref<200x64xf32, #tpu.memory_space<vmem>>
      tpu.wait_dma2 semaphore(%arg16 : memref<!tpu.dma_semaphore, #tpu.memory_space<semaphore_mem>>) src(%dma_wait3A_351 : memref<200x64xf32, #tpu.memory_space<vmem>>) dst(%dma_wait3A_347 : memref<200x64xf32, #tpu.memory_space<hbm>>)
    }
    %scan3A_54 = arith.constant 32 : i32
    return
  }
}

</mosaic_0001>

<sc_bundles>
// kernel: _run.3.cloned.1.call-start
scs
__scs_entry_jumppad:
0x0: {  	(pc) =	sbr.rel $0x88, $3  }
0x1: {  	(tag) =	ssettag $0x0;
	lr =	simm.s32 $0x1  }
0x2: {  	[smem:$0x3F9E] =	sst lr;
	_ =	strace $0xD0000000  }
0x3: {  	_ = 	snop  }
0x4: {  	_ = 	snop  }
0x5: {  	_ = 	snop  }
0x6: {  	_ = 	snop  }
0x7: {  	_ = 	snop  }
__scs_overlays_trampoline_lowered:
0x8: {  	[smem:$0x3FAD] =	sst s0  }
0x9: {  	[smem:$0x3FAE] =	sst s1  }
0xa: {  	[smem:$0x3FAF] =	sst s2  }
0xb: {  	[smem:$0x3FB0] =	sst s3  }
0xc: {  	[smem:$0x3FB1] =	sst s4  }
0xd: {  	[smem:$0x3FB2] =	sst s5  }
0xe: {  	[smem:$0x3FB3] =	sst s6  }
0xf: {  	[smem:$0x3FB4] =	sst s7  }
0x10: {  	[smem:$0x3FB5] =	sst s8  }
0x11: {  	[smem:$0x3FB6] =	sst s9;
	s0 =	simm.s32 @!p0 $0x0  }
0x12: {  	s1 =	sld [smem:$0x3F9C];
	s0 =	simm.s32 @p0 $0x1  }
0x13: {  	[smem:$0x3FB7] =	sst s0;
	s0 =	simm.s32 @!p1 $0x0  }
0x14: {  	s2 =	sld [smem:$0x3F9B];
	s0 =	simm.s32 @p1 $0x1  }
0x15: {  	[smem:$0x3FB8] =	sst s0;
	s0 =	simm.s32 @!p2 $0x0  }
0x16: {  	s3 =	sld [smem:$0x3FDB];
	s0 =	simm.s32 @p2 $0x1  }
0x17: {  	s4 =	simm.s32 $0x1BF5;
	[smem:$0x3FBA] =	sst s0  }
0x18: {  	s0 =	sld [smem:$0x3F9D];
	_ =	swait.ge [sflag:s4], $0x0  }
0x19: {  	s7 =	sld [smem:$0x3F9E]  }
0x1a: {  	s8 =	sadd.s32 $0xFFFFE003, lr  }
0x1b: {  	s9 =	sadd.s32 $0xFFFFFEF7, lr;
	s5 =	simm.s32 $0xFFFFFFFF;
	p2 =	slt.u32 s8, $0xFFFFF086  }
0x1c: {  	p1 =	slt.u32 s9, $0xF7A;
	s5 =	simm.s32 @!p2 $0x0  }
0x1d: {  	s5 =	simm.s32 @p1 $0x1;
	p0 =	seq.s32 s7, s2  }
0x1e: {  	s7 =	smul.u32 @!p0 $0xF7A, s2;
	p2 =	seq.s32 @!p0 s5, $0x0  }
0x1f: {  	s9 =	smul.u32 $0xF7A, s1;
	s8 =	simm.s32 @!p0 $0x1BF5;
	p2 =	por !p2, p0  }
0x20: {  	[sflag:s8] =	ssyncset.s32 @!p0 $0xFFFFF086;
	s6 =	sadd.s32 @!p0 s3, s7;
	s7 =	simm.s32 @!p0 $0x108  }
0x21: {  	s3 =	sadd.s32 s3, s9;
	s6 =	sadd.s32 @!p0 $0x88, s6;
	s7 =	simm.s32 @p2 $0x1082  }
0x22: {  	[simem:s7], [sflag:s8] =	dma.local @!p0 [hbm:s6], $0xF7A  }
0x23: {  	s9 =	sor.u32 $0xD0000000, s2;
	s6 =	simm.s32 $0x108;
	_ =	swait.ge @!p0 [sflag:s8], $0x0  }
0x24: {  	s3 =	sadd.s32 $0x88, s3;
	s6 =	simm.s32 @!p1 $0x1082;
	[sflag:s4] =	ssyncset.s32 $0xFFFFF086  }
0x25: {  	[simem:s6], [sflag:s4] =	dma.local [hbm:s3], $0xF7A  }
0x26: {  	[smem:$0x3F9E] =	sst s1;
	(tag) =	ssettag s2;
	_ =	strace s9  }
0x27: {  	s1 =	sld [smem:$0x3FAE]  }
0x28: {  	s2 =	sld [smem:$0x3FAF]  }
0x29: {  	s4 =	sld [smem:$0x3FB1]  }
0x2a: {  	p0 =	seq.s32 s5, $0x0;
	s5 =	sld [smem:$0x3FB2]  }
0x2b: {  	s6 =	sld [smem:$0x3FB3]  }
0x2c: {  	s7 =	sld [smem:$0x3FB4]  }
0x2d: {  	s3 =	simm.s32 $0x108;
	s8 =	sld [smem:$0x3FB5]  }
0x2e: {  	s3 =	simm.s32 @!p0 $0x1082;
	s9 =	sld [smem:$0x3FB6]  }
0x2f: {  	lr =	sadd.s32 s0, s3;
	s0 =	sld [smem:$0x3FAD]  }
0x30: {  	s3 =	sld [smem:$0x3FB0]  }
0x31: {  	[smem:$0x3FB9] =	sst s10  }
0x32: {  	s10 =	sld [smem:$0x3FB7];
	_ =	sdelay $0x3  }
0x33: {  	p0 =	seq.s32 s10, $0x1;
	s10 =	sld [smem:$0x3FB9];
	_ =	sdelay $0x3  }
0x34: {  	[smem:$0x3FB9] =	sst s10  }
0x35: {  	s10 =	sld [smem:$0x3FB8];
	_ =	sdelay $0x3  }
0x36: {  	p1 =	seq.s32 s10, $0x1;
	s10 =	sld [smem:$0x3FB9];
	_ =	sdelay $0x3  }
0x37: {  	[smem:$0x3FB9] =	sst s10  }
0x38: {  	s10 =	sld [smem:$0x3FBA]  }
0x39: {  	_ = 	snop;
	(pc) =	sbr.ind lr, $3  }
0x3a: {  	_ = 	snop  }
0x3b: {  	_ = 	snop  }
0x3c: {  	p2 =	seq.s32 s10, $0x1;
	s10 =	sld [smem:$0x3FB9]  }
0x3d: {  	_ =	shalt  }
0x3e: {  	_ =	shalt  }
0x3f: {  	_ =	shalt  }
0x40: {  	_ =	shalt  }
0x41: {  	_ =	shalt  }
0x42: {  	_ =	shalt  }
0x43: {  	_ =	shalt  }
0x44: {  	_ =	shalt  }
0x45: {  	_ =	shalt  }
0x46: {  	_ =	shalt  }
0x47: {  	_ =	shalt  }
0x48: {  	_ =	shalt  }
0x49: {  	_ =	shalt  }
0x4a: {  	_ =	shalt  }
0x4b: {  	_ =	shalt  }
0x4c: {  	_ =	shalt  }
0x4d: {  	_ =	shalt  }
0x4e: {  	_ =	shalt  }
0x4f: {  	_ =	shalt  }
0x50: {  	_ =	shalt  }
0x51: {  	_ =	shalt  }
0x52: {  	_ =	shalt  }
0x53: {  	_ =	shalt  }
0x54: {  	_ =	shalt  }
0x55: {  	_ =	shalt  }
0x56: {  	_ =	shalt  }
0x57: {  	_ =	shalt  }
0x58: {  	_ =	shalt  }
0x59: {  	_ =	shalt  }
0x5a: {  	_ =	shalt  }
0x5b: {  	_ =	shalt  }
0x5c: {  	_ =	shalt  }
0x5d: {  	_ =	shalt  }
0x5e: {  	_ =	shalt  }
0x5f: {  	_ =	shalt  }
0x60: {  	_ =	shalt  }
0x61: {  	_ =	shalt  }
0x62: {  	_ =	shalt  }
0x63: {  	_ =	shalt  }
0x64: {  	_ =	shalt  }
0x65: {  	_ =	shalt  }
0x66: {  	_ =	shalt  }
0x67: {  	_ =	shalt  }
0x68: {  	_ =	shalt  }
0x69: {  	_ =	shalt  }
0x6a: {  	_ =	shalt  }
0x6b: {  	_ =	shalt  }
0x6c: {  	_ =	shalt  }
0x6d: {  	_ =	shalt  }
0x6e: {  	_ =	shalt  }
0x6f: {  	_ =	shalt  }
0x70: {  	_ =	shalt  }
0x71: {  	_ =	shalt  }
0x72: {  	_ =	shalt  }
0x73: {  	_ =	shalt  }
0x74: {  	_ =	shalt  }
0x75: {  	_ =	shalt  }
0x76: {  	_ =	shalt  }
0x77: {  	_ =	shalt  }
0x78: {  	_ =	shalt  }
0x79: {  	_ =	shalt  }
0x7a: {  	_ =	shalt  }
0x7b: {  	_ =	shalt  }
0x7c: {  	_ =	shalt  }
0x7d: {  	_ =	shalt  }
0x7e: {  	_ =	shalt  }
0x7f: {  	_ =	shalt  }
0x80: {  	_ =	shalt  }
0x81: {  	_ =	shalt  }
0x82: {  	_ =	shalt  }
0x83: {  	_ =	shalt  }
0x84: {  	_ =	shalt  }
0x85: {  	_ =	shalt  }
0x86: {  	_ =	shalt  }
0x87: {  	_ =	shalt  }
.Lfunc_end0:
.L_simem_size_0:
called_computation.1_lowered:
.L_overlay_start_0:
0x88: {  	s2 =	sld [smem:$0x3FD9]  }
0x89: {  	s3 =	sld [smem:$0x3FFE];
	_ =	sdelay $0x1  }
0x8a: {  	s1 =	srdreg.scid  }
0x8b: {  	s0 =	sand.u32 $0x1, s1  }
0x8c: {  	s17 =	sshll.u32 s0, $0xA;
	s2 =	sadd.s32 s3, s2  }
0x8d: {  	s2 =	sadd.s32 s2, s17  }
0x8e: {  	[smem:$0x3FC5] =	sst s2  }
0x8f: {  	_ = 	snop  }
0x90: {  	s2 =	sld [smem:$0x3FD0];
	(tm) =	ssettm $0x1  }
0x91: {  	s18 =	sld [smem:$0x3FFB];
	_ =	sdelay $0x3  }
0x92: {  	_ =	strace s18  }
0x93: {  	s3 =	sld [smem:$0x3FFC];
	_ =	sdelay $0x3  }
0x94: {  	_ =	strace s3  }
0x95: {  	s3 =	sld [smem:$0x3FFD];
	_ =	sdelay $0x3  }
0x96: {  	_ =	strace s3  }
0x97: {  	_ =	strace $0x8FFFFFFF  }
0x98: {  	s19 =	sld [smem:$0x3FDB];
	_ =	sdelay $0x1  }
0x99: {  	s4 =	simm.s32 $_scs_section_size  }
0x9a: {  	s5 =	simm.s32 $_size__tile_overlayer_lowered;
	s6 =	simm.s32 $_tile_overlayer_lowered  }
0x9b: {  	s22 =	simm.s32 $0x1BFF;
	s21 =	sshll.u32 s6, $0x1;
	s3 =	sadd.s32 s4, s19  }
0x9c: {  	s7 =	simm.s32 $0x0;
	s20 =	sshll.u32 s5, $0x1;
	s5 =	sadd.s32 s21, s3  }
0x9d: {  	[timem:s7], [sflag:s22] =	dma.local [hbm:s5], s20  }
0x9e: {  	_ =	swait.ge [sflag:s22], s20  }
0x9f: {  	s4 =	ssub.s32 $0x0, s20;
	[sflag:s22] =	ssyncset.done $0x0  }
0xa0: {  	[sflag:s22] =	ssyncadd.s32 s4;
	_ =	sdelay $0x1  }
0xa1: {  	s23 =	simm.s32 $0x1B8B  }
0xa2: {  	_ =	swait.ge [sflag:s23], $0x1  }
0xa3: {  	[sflag:s23] =	ssyncset.done $0x0  }
0xa4: {  	s25 =	simm.s32 $0x1B8E;
	s24 =	sld [smem:$0x3FFE];
	[sflag:s23] =	ssyncadd.s32 $0xFFFFFFFF  }
0xa5: {  	s26 =	simm.s32 $execute0_lowered;
	[smem:$0x3FD2] =	sst s25  }
0xa6: {  	s5 =	sshll.u32 s26, $0x1;
	_ =	strace $0x80000046;
	[dreg:$0x1] =	wrdreg $0xFFFFFFFF  }
0xa7: {  	s28 =	simm.s32 $_size_execute0_lowered;
	s3 =	sadd.s32 s3, s5;
	[dreg:$0x0] =	wrdreg $0x0  }
0xa8: {  	s5 =	sshll.u32 s28, $0x1;
	[dreg:$0x2] =	wrdreg s3  }
0xa9: {  	[dreg:$0x3] =	wrdreg s5  }
0xaa: {  	[dreg:$0x4] =	wrdreg $0xC0  }
0xab: {  	_ =	task [dreg:s7], $0x5FFFF  }
0xac: {  	[dreg:$0x1] =	wrdreg $0xFFFFFFFF  }
0xad: {  	[dreg:$0x0] =	wrdreg $0x60  }
0xae: {  	[dreg:$0x2] =	wrdreg s24  }
0xaf: {  	[dreg:$0x3] =	wrdreg s2  }
0xb0: {  	[dreg:$0x4] =	wrdreg $0x9  }
0xb1: {  	_ =	task.clear_ibuf [dreg:s7], $0x5FFFF;
	_ =	strace $0x90000046  }
0xb2: {  	s29 =	simm.s32 $0x9;
	_ =	strace $0x80000048  }
0xb3: {  	_ =	swait.ge [sflag:s29], $0x1  }
0xb4: {  	[sflag:s29] =	ssyncadd.s32 $0xFFFFFFFF  }
0xb5: {  	_ =	strace $0x90000048  }
0xb6: {  	_ =	sfence  }
0xb7: {  	s30 =	sld [smem:$0x0];
	_ =	sdelay $0x2  }
0xb8: {  	s31 =	sshll.u32 s1, $0xD;
	s1 =	sshrl.u32 s1, $0x2  }
0xb9: {  	s3 =	sand.u32 $0x4000, s31;
	s1 =	sadd.s32 s1, s30  }
0xba: {  	s0 =	sor.u32 s3, s0;
	s1 =	sshll.u32 s1, $0x11  }
0xbb: {  	s0 =	sor.u32 s1, s0  }
0xbc: {  	s0 =	sadd.s32 $0x8F2B, s0  }
0xbd: {  	[sflag:s0] =	ssyncadd.remote.s32 $0x1  }
0xbe: {  	_ =	sfence.sel $0xFFFF  }
0xbf: {  	[dreg:$0x0] =	wrdreg $0xFFFFFFFF;
	(pc) =	sbr.abs _section_cstart, $3  }
0xc0: {  	[dreg:$0x1] =	wrdreg $0xFFFFFFFF  }
0xc1: {  	_ =	task.clear_ibuf [dreg:s7], $0x2FFFF;
	_ =	strace $0x9FFFFFFF  }
0xc2: {  	(tm) =	ssettm $0x7FFFFFFF  }
0xc3: {  	_ =	shalt  }
tec
execute0_lowered:
.L_overlay_start_1:
0x0: {  	(tag) =	ssettag $0x1  }
0x1: {  	s0 =	srdreg.scid  }
0x2: {  	s1 =	rddreg [dreg:$0x0];
	s3 =	stileid.u32  }
0x3: {  	s2 =	rddreg [dreg:$0x1];
	s9 =	simm.s32 $0x9;
	s11 =	simm.s32 $0x68  }
0x4: {  	s12 =	simm.s32 $0x9600;
	s13 =	simm.s32 $0x60;
	s16 =	simm.s32 $0xC800  }
0x5: {  	s19 =	simm.s32 $0x1;
	s20 =	simm.s32 $0xFA00;
	s21 =	simm.s32 $0x11400  }
0x6: {  	s22 =	simm.s32 $0x5;
	s23 =	simm.s32 $0x2;
	s24 =	simm.s32 $0x12C00  }
0x7: {  	s25 =	simm.s32 $0x14600;
	s26 =	simm.s32 $0x6;
	s28 =	simm.s32 $0x3  }
0x8: {  	s29 =	simm.s32 $0x7;
	s30 =	simm.s32 $0x4;
	s0 =	sand.u32 $0x1, s0  }
0x9: {  	s31 =	simm.s32 $0x8;
	s4 =	sshll.u32 s3, $0x8;
	s5 =	sshll.u32 s0, $0x7  }
0xa: {  	s3 =	simm.s32 $0x0;
	s0 =	ssub.s32 $0x2, s0;
	s4 =	sor.u32 s5, s4  }
0xb: {  	[smem:$0x7FF] =	sst s3;
	s8 =	sshrl.u32 s0, $0x1;
	s6 =	smul.u32 $0x19, s4  }
0xc: {  	_ =	strace $0x80000047;
	s5 =	sadd.s32 $0xF43000, s1;
	s0 =	ssub.s32 s0, s8  }
0xd: {  	s8 =	smax.u32 s0, $0x1;
	s7 =	sadd.s32 s6, s1;
	s1 =	sadd.s32 $0x19C00, s1  }
0xe: {  	[dreg:$0x3] =	wrdreg s1;
	s7 =	sadd.s32 $0xC00, s7;
	s1 =	simm.s32 $0x0  }
.LBB2_1:
0xf: {  	[tilespmem:s3], [sflag:$0x9] =	stream.linear.gather [hbm4b:s7+s3], $0x6400, $0x38;
	[tilespmem:$0x15E00] =	vst v63  }
0x10: {  	_ =	swait.ge [sflag:s9], $0x6400  }
0x11: {  	[sflag:s9] =	ssyncset.done $0x0  }
0x12: {  	s6 =	simm.s32 $0x6400;
	s0 =	rddreg [dreg:$0x3];
	[sflag:s9] =	ssyncadd.s32 $0xFFFF9C00  }
0x13: {  	[tilespmem:s6], [sflag:$0x9] =	stream.linear.gather [hbm4b:s0+s3], $0x3200, $0x38;
	[tilespmem:$0x15E00] =	vst v63  }
0x14: {  	_ =	swait.ge [sflag:s9], $0x3200  }
0x15: {  	[sflag:s9] =	ssyncset.done $0x0  }
0x16: {  	[sflag:s9] =	ssyncadd.s32 $0xFFFFCE00  }
0x17: {  	[tilespmem:s12], [sflag:$0x1] =	stream.indirect.gather [hbm4b:s5+s11], $0x40, s3, s11, $0xb8;
	[tilespmem:$0x15E00] =	vst v63  }
0x18: {  	s14 =	simm.s32 $0xB000  }
0x19: {  	[tilespmem:s14], [sflag:$0x1] =	stream.indirect.gather [hbm4b:s5+s13], $0x40, s11, s13, $0xb8;
	[tilespmem:$0x15E00] =	vst v63  }
0x1a: {  	s15 =	simm.s32 $0xC8  }
0x1b: {  	[tilespmem:s16], [sflag:$0x2] =	stream.indirect.gather [hbm4b:s5+s11], $0x40, s15, s11, $0xb8;
	[tilespmem:$0x15E00] =	vst v63  }
0x1c: {  	s17 =	simm.s32 $0x130;
	s18 =	simm.s32 $0xE200;
	s0 =	simm.s32 $0x0  }
0x1d: {  	[tilespmem:s18], [sflag:$0x2] =	stream.indirect.gather [hbm4b:s5+s13], $0x40, s17, s13, $0xb8;
	[tilespmem:$0x15E00] =	vst v63  }
.LBB2_2:
0x1e: {  	_ =	swait.ge [sflag:s19], $0x1A00  }
0x1f: {  	s15 =	sshll.u32 s0, $0x2;
	[sflag:s19] =	ssyncset.done $0x0  }
0x20: {  	s14 =	sor.u32 $0x2, s15;
	[sflag:s19] =	ssyncadd.s32 $0xFFFFE600  }
0x21: {  	s10 =	smul.u32 $0x320, s14;
	_ =	swait.ge [sflag:s19], $0x1800  }
0x22: {  	[sflag:s19] =	ssyncset.done $0x0  }
0x23: {  	s10 =	sshra.s32 s10, $0x2;
	[sflag:s19] =	ssyncadd.s32 $0xFFFFE800  }
0x24: {  	[tilespmem:s20], [sflag:$0x3] =	stream.indirect.gather [hbm4b:s5+s11], $0x40, s10, s11, $0xb8;
	[tilespmem:$0x15E00] =	vst v63  }
0x25: {  	s10 =	sadd.s32 $0x68, s10  }
0x26: {  	[tilespmem:s21], [sflag:$0x3] =	stream.indirect.gather [hbm4b:s5+s13], $0x40, s10, s13, $0xb8;
	[tilespmem:$0x15E00] =	vst v63  }
0x27: {  	s17 =	simm.s32 $0x400;
	s10 =	simm.s32 $0x0  }
.LBB2_3:
0x28: {  	p0 =	sne.s32 s17, $0xC400;
	v0 =	vld [tilespmem:s10+$0x64F0]  }
0x29: {  	v1 =	vld [tilespmem:s10+$0x6400]  }
0x2a: {  	v2 =	vld [tilespmem:s10+$0x6410]  }
0x2b: {  	v3 =	vld [tilespmem:s10+$0x6420]  }
0x2c: {  	v4 =	vld [tilespmem:s10+$0x6430]  }
0x2d: {  	[tilespmem:s10+$0x96F0] =	vst.add.f32.msk $0xffff, v0  }
0x2e: {  	v0 =	vld [tilespmem:s10+$0x6440]  }
0x2f: {  	v5 =	vld [tilespmem:s10+$0x6450]  }
0x30: {  	v6 =	vld [tilespmem:s10+$0x6460]  }
0x31: {  	v7 =	vld [tilespmem:s10+$0x6470]  }
0x32: {  	v8 =	vld [tilespmem:s10+$0x6480]  }
0x33: {  	v9 =	vld [tilespmem:s10+$0x6490]  }
0x34: {  	v10 =	vld [tilespmem:s10+$0x64A0]  }
0x35: {  	v11 =	vld [tilespmem:s10+$0x64B0]  }
0x36: {  	v12 =	vld [tilespmem:s10+$0x64C0]  }
0x37: {  	v13 =	vld [tilespmem:s10+$0x64D0]  }
0x38: {  	v14 =	vld [tilespmem:s10+$0x64E0]  }
0x39: {  	[tilespmem:s10+$0x9600] =	vst.add.f32.msk $0xffff, v1  }
0x3a: {  	[tilespmem:s10+$0x9610] =	vst.add.f32.msk $0xffff, v2  }
0x3b: {  	[tilespmem:s10+$0x9620] =	vst.add.f32.msk $0xffff, v3  }
0x3c: {  	[tilespmem:s10+$0x9630] =	vst.add.f32.msk $0xffff, v4  }
0x3d: {  	[tilespmem:s10+$0x9640] =	vst.add.f32.msk $0xffff, v0  }
0x3e: {  	[tilespmem:s10+$0x9650] =	vst.add.f32.msk $0xffff, v5  }
0x3f: {  	[tilespmem:s10+$0x9660] =	vst.add.f32.msk $0xffff, v6  }
0x40: {  	[tilespmem:s10+$0x9670] =	vst.add.f32.msk $0xffff, v7  }
0x41: {  	[tilespmem:s10+$0x9680] =	vst.add.f32.msk $0xffff, v8  }
0x42: {  	[tilespmem:s10+$0x9690] =	vst.add.f32.msk $0xffff, v9  }
.Ltmp0:
0x43: {  	[tilespmem:s10+$0x96A0] =	vst.add.f32.msk $0xffff, v10;
	(pc) =	sbr.rel @p0 .LBB2_3-.Ltmp0, $4  }
0x44: {  	[tilespmem:s10+$0x96B0] =	vst.add.f32.msk $0xffff, v11  }
0x45: {  	[tilespmem:s10+$0x96C0] =	vst.add.f32.msk $0xffff, v12  }
0x46: {  	[tilespmem:s10+$0x96D0] =	vst.add.f32.msk $0xffff, v13  }
0x47: {  	[tilespmem:s10+$0x96E0] =	vst.add.f32.msk $0xffff, v14;
	s10 =	sshra.s32 s17, $0x2;
	s17 =	sadd.s32 $0x400, s17  }
0x48: {  	v0 =	vld [tilespmem:s10+$0x64F0]  }
0x49: {  	v1 =	vld [tilespmem:s10+$0x6400]  }
0x4a: {  	v2 =	vld [tilespmem:s10+$0x6410]  }
0x4b: {  	v3 =	vld [tilespmem:s10+$0x6420]  }
0x4c: {  	v4 =	vld [tilespmem:s10+$0x6430]  }
0x4d: {  	v63 =	vld [tilespmem:s10+$0x6440]  }
0x4e: {  	v5 =	vld [tilespmem:s10+$0x6450]  }
0x4f: {  	v6 =	vld [tilespmem:s10+$0x6460]  }
0x50: {  	v7 =	vld [tilespmem:s10+$0x6470]  }
0x51: {  	v8 =	vld [tilespmem:s10+$0x6480]  }
0x52: {  	v9 =	vld [tilespmem:s10+$0x6490]  }
0x53: {  	v10 =	vld [tilespmem:s10+$0x64A0]  }
0x54: {  	v11 =	vld [tilespmem:s10+$0x64B0]  }
0x55: {  	v12 =	vld [tilespmem:s10+$0x64C0]  }
0x56: {  	v13 =	vld [tilespmem:s10+$0x64D0]  }
0x57: {  	v14 =	vld [tilespmem:s10+$0x64E0]  }
0x58: {  	[tilespmem:s10+$0x96F0] =	vst.add.f32.msk $0xffff, v0  }
0x59: {  	[tilespmem:s10+$0x9600] =	vst.add.f32.msk $0xffff, v1  }
0x5a: {  	[tilespmem:s10+$0x9610] =	vst.add.f32.msk $0xffff, v2  }
0x5b: {  	[tilespmem:s10+$0x9620] =	vst.add.f32.msk $0xffff, v3  }
0x5c: {  	[tilespmem:s10+$0x9630] =	vst.add.f32.msk $0xffff, v4  }
0x5d: {  	[tilespmem:s10+$0x9640] =	vst.add.f32.msk $0xffff, v63  }
0x5e: {  	[tilespmem:s10+$0x9650] =	vst.add.f32.msk $0xffff, v5  }
0x5f: {  	[tilespmem:s10+$0x9660] =	vst.add.f32.msk $0xffff, v6  }
0x60: {  	[tilespmem:s10+$0x9670] =	vst.add.f32.msk $0xffff, v7  }
0x61: {  	[tilespmem:s10+$0x9680] =	vst.add.f32.msk $0xffff, v8  }
0x62: {  	[tilespmem:s10+$0x9690] =	vst.add.f32.msk $0xffff, v9  }
0x63: {  	[tilespmem:s10+$0x96A0] =	vst.add.f32.msk $0xffff, v10  }
0x64: {  	s17 =	sadd.s32 s4, s15;
	[tilespmem:s10+$0x96B0] =	vst.add.f32.msk $0xffff, v11  }
0x65: {  	s17 =	smul.u32 $0x640, s17;
	[tilespmem:s10+$0x96C0] =	vst.add.f32.msk $0xffff, v12  }
0x66: {  	[tilespmem:s10+$0x96D0] =	vst.add.f32.msk $0xffff, v13  }
0x67: {  	s6 =	simm.s32 $0x0;
	s18 =	sadd.s32 s2, s17;
	[tilespmem:s10+$0x96E0] =	vst.add.f32.msk $0xffff, v14  }
0x68: {  	[hbm4b:s18+s6] =	stream.linear.scatter [tilespmem:s12], [sflag:$0x5], $0x3200, $0x38;
	[tilespmem:$0x15E00] =	vst v63  }
0x69: {  	_ =	swait.ge [sflag:s22], $0x3200  }
0x6a: {  	[sflag:s22] =	ssyncset.done $0x0  }
0x6b: {  	[sflag:s22] =	ssyncadd.s32 $0xFFFFCE00  }
0x6c: {  	_ =	swait.ge [sflag:s23], $0x1A00  }
0x6d: {  	[sflag:s23] =	ssyncset.done $0x0  }
0x6e: {  	s10 =	sor.u32 $0x3, s15;
	[sflag:s23] =	ssyncadd.s32 $0xFFFFE600  }
0x6f: {  	s18 =	smul.u32 $0x320, s10;
	_ =	swait.ge [sflag:s23], $0x1800  }
0x70: {  	[sflag:s23] =	ssyncset.done $0x0  }
0x71: {  	s17 =	sshra.s32 s18, $0x2;
	[sflag:s23] =	ssyncadd.s32 $0xFFFFE800  }
0x72: {  	[tilespmem:s24], [sflag:$0x4] =	stream.indirect.gather [hbm4b:s5+s11], $0x40, s17, s11, $0xb8;
	[tilespmem:$0x15E00] =	vst v63  }
0x73: {  	s17 =	sadd.s32 $0x68, s17  }
0x74: {  	[tilespmem:s25], [sflag:$0x4] =	stream.indirect.gather [hbm4b:s5+s13], $0x40, s17, s13, $0xb8;
	[tilespmem:$0x15E00] =	vst v63  }
0x75: {  	s18 =	simm.s32 $0x400;
	s17 =	simm.s32 $0x0  }
.LBB2_5:
0x76: {  	p0 =	sne.s32 s18, $0xC400;
	v0 =	vld [tilespmem:s17+$0x64F0]  }
0x77: {  	v1 =	vld [tilespmem:s17+$0x6400]  }
0x78: {  	v2 =	vld [tilespmem:s17+$0x6410]  }
0x79: {  	v3 =	vld [tilespmem:s17+$0x6420]  }
0x7a: {  	v4 =	vld [tilespmem:s17+$0x6430]  }
0x7b: {  	[tilespmem:s17+$0xC8F0] =	vst.add.f32.msk $0xffff, v0  }
0x7c: {  	v0 =	vld [tilespmem:s17+$0x6440]  }
0x7d: {  	v5 =	vld [tilespmem:s17+$0x6450]  }
0x7e: {  	v6 =	vld [tilespmem:s17+$0x6460]  }
0x7f: {  	v7 =	vld [tilespmem:s17+$0x6470]  }
0x80: {  	v8 =	vld [tilespmem:s17+$0x6480]  }
0x81: {  	v9 =	vld [tilespmem:s17+$0x6490]  }
0x82: {  	v10 =	vld [tilespmem:s17+$0x64A0]  }
0x83: {  	v11 =	vld [tilespmem:s17+$0x64B0]  }
0x84: {  	v12 =	vld [tilespmem:s17+$0x64C0]  }
0x85: {  	v13 =	vld [tilespmem:s17+$0x64D0]  }
0x86: {  	v14 =	vld [tilespmem:s17+$0x64E0]  }
0x87: {  	[tilespmem:s17+$0xC800] =	vst.add.f32.msk $0xffff, v1  }
0x88: {  	[tilespmem:s17+$0xC810] =	vst.add.f32.msk $0xffff, v2  }
0x89: {  	[tilespmem:s17+$0xC820] =	vst.add.f32.msk $0xffff, v3  }
0x8a: {  	[tilespmem:s17+$0xC830] =	vst.add.f32.msk $0xffff, v4  }
0x8b: {  	[tilespmem:s17+$0xC840] =	vst.add.f32.msk $0xffff, v0  }
0x8c: {  	[tilespmem:s17+$0xC850] =	vst.add.f32.msk $0xffff, v5  }
0x8d: {  	[tilespmem:s17+$0xC860] =	vst.add.f32.msk $0xffff, v6  }
0x8e: {  	[tilespmem:s17+$0xC870] =	vst.add.f32.msk $0xffff, v7  }
0x8f: {  	[tilespmem:s17+$0xC880] =	vst.add.f32.msk $0xffff, v8  }
0x90: {  	[tilespmem:s17+$0xC890] =	vst.add.f32.msk $0xffff, v9  }
.Ltmp1:
0x91: {  	[tilespmem:s17+$0xC8A0] =	vst.add.f32.msk $0xffff, v10;
	(pc) =	sbr.rel @p0 .LBB2_5-.Ltmp1, $4  }
0x92: {  	[tilespmem:s17+$0xC8B0] =	vst.add.f32.msk $0xffff, v11  }
0x93: {  	[tilespmem:s17+$0xC8C0] =	vst.add.f32.msk $0xffff, v12  }
0x94: {  	[tilespmem:s17+$0xC8D0] =	vst.add.f32.msk $0xffff, v13  }
0x95: {  	[tilespmem:s17+$0xC8E0] =	vst.add.f32.msk $0xffff, v14;
	s17 =	sshra.s32 s18, $0x2;
	s18 =	sadd.s32 $0x400, s18  }
0x96: {  	v0 =	vld [tilespmem:s17+$0x64F0]  }
0x97: {  	v1 =	vld [tilespmem:s17+$0x6400]  }
0x98: {  	v2 =	vld [tilespmem:s17+$0x6410]  }
0x99: {  	v3 =	vld [tilespmem:s17+$0x6420]  }
0x9a: {  	v4 =	vld [tilespmem:s17+$0x6430]  }
0x9b: {  	v63 =	vld [tilespmem:s17+$0x6440]  }
0x9c: {  	v5 =	vld [tilespmem:s17+$0x6450]  }
0x9d: {  	v6 =	vld [tilespmem:s17+$0x6460]  }
0x9e: {  	v7 =	vld [tilespmem:s17+$0x6470]  }
0x9f: {  	v8 =	vld [tilespmem:s17+$0x6480]  }
0xa0: {  	v9 =	vld [tilespmem:s17+$0x6490]  }
0xa1: {  	v10 =	vld [tilespmem:s17+$0x64A0]  }
0xa2: {  	v11 =	vld [tilespmem:s17+$0x64B0]  }
0xa3: {  	v12 =	vld [tilespmem:s17+$0x64C0]  }
0xa4: {  	v13 =	vld [tilespmem:s17+$0x64D0]  }
0xa5: {  	v14 =	vld [tilespmem:s17+$0x64E0]  }
0xa6: {  	[tilespmem:s17+$0xC8F0] =	vst.add.f32.msk $0xffff, v0  }
0xa7: {  	[tilespmem:s17+$0xC800] =	vst.add.f32.msk $0xffff, v1  }
0xa8: {  	[tilespmem:s17+$0xC810] =	vst.add.f32.msk $0xffff, v2  }
0xa9: {  	[tilespmem:s17+$0xC820] =	vst.add.f32.msk $0xffff, v3  }
0xaa: {  	[tilespmem:s17+$0xC830] =	vst.add.f32.msk $0xffff, v4  }
0xab: {  	[tilespmem:s17+$0xC840] =	vst.add.f32.msk $0xffff, v63  }
0xac: {  	[tilespmem:s17+$0xC850] =	vst.add.f32.msk $0xffff, v5  }
0xad: {  	[tilespmem:s17+$0xC860] =	vst.add.f32.msk $0xffff, v6  }
0xae: {  	[tilespmem:s17+$0xC870] =	vst.add.f32.msk $0xffff, v7  }
0xaf: {  	[tilespmem:s17+$0xC880] =	vst.add.f32.msk $0xffff, v8  }
0xb0: {  	[tilespmem:s17+$0xC890] =	vst.add.f32.msk $0xffff, v9  }
0xb1: {  	s15 =	sadd.s32 s15, s4;
	[tilespmem:s17+$0xC8A0] =	vst.add.f32.msk $0xffff, v10  }
0xb2: {  	s15 =	smul.u32 $0x640, s15;
	[tilespmem:s17+$0xC8B0] =	vst.add.f32.msk $0xffff, v11  }
0xb3: {  	[tilespmem:s17+$0xC8C0] =	vst.add.f32.msk $0xffff, v12  }
0xb4: {  	s15 =	sadd.s32 s2, s15;
	[tilespmem:s17+$0xC8D0] =	vst.add.f32.msk $0xffff, v13  }
0xb5: {  	s15 =	sadd.s32 $0x640, s15;
	[tilespmem:s17+$0xC8E0] =	vst.add.f32.msk $0xffff, v14  }
0xb6: {  	[hbm4b:s15+s3] =	stream.linear.scatter [tilespmem:s16], [sflag:$0x6], $0x3200, $0x38;
	[tilespmem:$0x15E00] =	vst v63  }
0xb7: {  	_ =	swait.ge [sflag:s26], $0x3200  }
0xb8: {  	[sflag:s26] =	ssyncset.done $0x0  }
0xb9: {  	[sflag:s26] =	ssyncadd.s32 $0xFFFFCE00  }
0xba: {  	_ =	swait.ge [sflag:s28], $0x1A00  }
0xbb: {  	p0 =	seq.s32 s0, $0x1F;
	[sflag:s28] =	ssyncset.done $0x0  }
0xbc: {  	s15 =	smul.u32 @!p0 $0xC80, s0;
	[sflag:s28] =	ssyncadd.s32 $0xFFFFE600  }
0xbd: {  	_ =	swait.ge [sflag:s28], $0x1800  }
0xbe: {  	s18 =	simm.s32 @!p0 $0x68;
	s15 =	sshra.s32 @!p0 s15, $0x2;
	[sflag:s28] =	ssyncset.done $0x0  }
0xbf: {  	s6 =	simm.s32 @!p0 $0x9600;
	s17 =	sadd.s32 @!p0 $0x320, s15;
	[sflag:s28] =	ssyncadd.s32 $0xFFFFE800  }
0xc0: {  	[tilespmem:s6], [sflag:$0x1] =	stream.indirect.gather @!p0 [hbm4b:s5+s18], $0x40, s17, s18, $0xb8;
	[tilespmem:$0x15E00] =	vst v63  }
0xc1: {  	s6 =	sadd.s32 @!p0 $0x388, s15;
	s17 =	simm.s32 @!p0 $0x60;
	s18 =	simm.s32 @!p0 $0xB000  }
0xc2: {  	[tilespmem:s18], [sflag:$0x1] =	stream.indirect.gather @!p0 [hbm4b:s5+s17], $0x40, s6, s17, $0xb8;
	[tilespmem:$0x15E00] =	vst v63  }
0xc3: {  	s17 =	simm.s32 $0x0;
	s18 =	simm.s32 $0x400  }
.LBB2_7:
0xc4: {  	p1 =	sne.s32 s18, $0xC400;
	v0 =	vld [tilespmem:s17+$0x64F0]  }
0xc5: {  	v1 =	vld [tilespmem:s17+$0x6400]  }
0xc6: {  	v2 =	vld [tilespmem:s17+$0x6410]  }
0xc7: {  	v3 =	vld [tilespmem:s17+$0x6420]  }
0xc8: {  	v4 =	vld [tilespmem:s17+$0x6430]  }
0xc9: {  	[tilespmem:s17+$0xFAF0] =	vst.add.f32.msk $0xffff, v0  }
0xca: {  	v0 =	vld [tilespmem:s17+$0x6440]  }
0xcb: {  	v5 =	vld [tilespmem:s17+$0x6450]  }
0xcc: {  	v6 =	vld [tilespmem:s17+$0x6460]  }
0xcd: {  	v7 =	vld [tilespmem:s17+$0x6470]  }
0xce: {  	v8 =	vld [tilespmem:s17+$0x6480]  }
0xcf: {  	v9 =	vld [tilespmem:s17+$0x6490]  }
0xd0: {  	v10 =	vld [tilespmem:s17+$0x64A0]  }
0xd1: {  	v11 =	vld [tilespmem:s17+$0x64B0]  }
0xd2: {  	v12 =	vld [tilespmem:s17+$0x64C0]  }
0xd3: {  	v13 =	vld [tilespmem:s17+$0x64D0]  }
0xd4: {  	v14 =	vld [tilespmem:s17+$0x64E0]  }
0xd5: {  	[tilespmem:s17+$0xFA00] =	vst.add.f32.msk $0xffff, v1  }
0xd6: {  	[tilespmem:s17+$0xFA10] =	vst.add.f32.msk $0xffff, v2  }
0xd7: {  	[tilespmem:s17+$0xFA20] =	vst.add.f32.msk $0xffff, v3  }
0xd8: {  	[tilespmem:s17+$0xFA30] =	vst.add.f32.msk $0xffff, v4  }
0xd9: {  	[tilespmem:s17+$0xFA40] =	vst.add.f32.msk $0xffff, v0  }
0xda: {  	[tilespmem:s17+$0xFA50] =	vst.add.f32.msk $0xffff, v5  }
0xdb: {  	[tilespmem:s17+$0xFA60] =	vst.add.f32.msk $0xffff, v6  }
0xdc: {  	[tilespmem:s17+$0xFA70] =	vst.add.f32.msk $0xffff, v7  }
0xdd: {  	[tilespmem:s17+$0xFA80] =	vst.add.f32.msk $0xffff, v8  }
0xde: {  	[tilespmem:s17+$0xFA90] =	vst.add.f32.msk $0xffff, v9  }
.Ltmp2:
0xdf: {  	[tilespmem:s17+$0xFAA0] =	vst.add.f32.msk $0xffff, v10;
	(pc) =	sbr.rel @p1 .LBB2_7-.Ltmp2, $4  }
0xe0: {  	[tilespmem:s17+$0xFAB0] =	vst.add.f32.msk $0xffff, v11  }
0xe1: {  	[tilespmem:s17+$0xFAC0] =	vst.add.f32.msk $0xffff, v12  }
0xe2: {  	[tilespmem:s17+$0xFAD0] =	vst.add.f32.msk $0xffff, v13  }
0xe3: {  	[tilespmem:s17+$0xFAE0] =	vst.add.f32.msk $0xffff, v14;
	s17 =	sshra.s32 s18, $0x2;
	s18 =	sadd.s32 $0x400, s18  }
0xe4: {  	v0 =	vld [tilespmem:s17+$0x64F0]  }
0xe5: {  	v1 =	vld [tilespmem:s17+$0x6400]  }
0xe6: {  	v2 =	vld [tilespmem:s17+$0x6410]  }
0xe7: {  	v3 =	vld [tilespmem:s17+$0x6420]  }
0xe8: {  	v4 =	vld [tilespmem:s17+$0x6430]  }
0xe9: {  	v63 =	vld [tilespmem:s17+$0x6440]  }
0xea: {  	v5 =	vld [tilespmem:s17+$0x6450]  }
0xeb: {  	v6 =	vld [tilespmem:s17+$0x6460]  }
0xec: {  	v7 =	vld [tilespmem:s17+$0x6470]  }
0xed: {  	v8 =	vld [tilespmem:s17+$0x6480]  }
0xee: {  	v9 =	vld [tilespmem:s17+$0x6490]  }
0xef: {  	v10 =	vld [tilespmem:s17+$0x64A0]  }
0xf0: {  	v11 =	vld [tilespmem:s17+$0x64B0]  }
0xf1: {  	v12 =	vld [tilespmem:s17+$0x64C0]  }
0xf2: {  	v13 =	vld [tilespmem:s17+$0x64D0]  }
0xf3: {  	v14 =	vld [tilespmem:s17+$0x64E0]  }
0xf4: {  	[tilespmem:s17+$0xFAF0] =	vst.add.f32.msk $0xffff, v0  }
0xf5: {  	[tilespmem:s17+$0xFA00] =	vst.add.f32.msk $0xffff, v1  }
0xf6: {  	[tilespmem:s17+$0xFA10] =	vst.add.f32.msk $0xffff, v2  }
0xf7: {  	[tilespmem:s17+$0xFA20] =	vst.add.f32.msk $0xffff, v3  }
0xf8: {  	[tilespmem:s17+$0xFA30] =	vst.add.f32.msk $0xffff, v4  }
0xf9: {  	[tilespmem:s17+$0xFA40] =	vst.add.f32.msk $0xffff, v63  }
0xfa: {  	[tilespmem:s17+$0xFA50] =	vst.add.f32.msk $0xffff, v5  }
0xfb: {  	[tilespmem:s17+$0xFA60] =	vst.add.f32.msk $0xffff, v6  }
0xfc: {  	[tilespmem:s17+$0xFA70] =	vst.add.f32.msk $0xffff, v7  }
0xfd: {  	[tilespmem:s17+$0xFA80] =	vst.add.f32.msk $0xffff, v8  }
0xfe: {  	[tilespmem:s17+$0xFA90] =	vst.add.f32.msk $0xffff, v9  }
0xff: {  	[tilespmem:s17+$0xFAA0] =	vst.add.f32.msk $0xffff, v10  }
0x100: {  	s6 =	sadd.s32 s4, s14;
	[tilespmem:s17+$0xFAB0] =	vst.add.f32.msk $0xffff, v11  }
0x101: {  	s6 =	smul.u32 $0x640, s6;
	[tilespmem:s17+$0xFAC0] =	vst.add.f32.msk $0xffff, v12  }
0x102: {  	[tilespmem:s17+$0xFAD0] =	vst.add.f32.msk $0xffff, v13  }
0x103: {  	s6 =	sadd.s32 s2, s6;
	[tilespmem:s17+$0xFAE0] =	vst.add.f32.msk $0xffff, v14  }
0x104: {  	[hbm4b:s6+s3] =	stream.linear.scatter [tilespmem:s20], [sflag:$0x7], $0x3200, $0x38;
	[tilespmem:$0x15E00] =	vst v63  }
0x105: {  	_ =	swait.ge [sflag:s29], $0x3200  }
0x106: {  	[sflag:s29] =	ssyncset.done $0x0  }
0x107: {  	[sflag:s29] =	ssyncadd.s32 $0xFFFFCE00  }
0x108: {  	_ =	swait.ge [sflag:s30], $0x1A00  }
0x109: {  	[sflag:s30] =	ssyncset.done $0x0  }
0x10a: {  	[sflag:s30] =	ssyncadd.s32 $0xFFFFE600  }
0x10b: {  	_ =	swait.ge [sflag:s30], $0x1800  }
0x10c: {  	s14 =	simm.s32 @!p0 $0x68;
	[sflag:s30] =	ssyncset.done $0x0  }
0x10d: {  	s17 =	simm.s32 @!p0 $0xC800;
	s6 =	sadd.s32 @!p0 $0x3E8, s15;
	[sflag:s30] =	ssyncadd.s32 $0xFFFFE800  }
0x10e: {  	[tilespmem:s17], [sflag:$0x2] =	stream.indirect.gather @!p0 [hbm4b:s5+s14], $0x40, s6, s14, $0xb8;
	[tilespmem:$0x15E00] =	vst v63  }
0x10f: {  	s6 =	sadd.s32 @!p0 $0x450, s15;
	s14 =	simm.s32 @!p0 $0x60;
	s15 =	simm.s32 @!p0 $0xE200  }
0x110: {  	[tilespmem:s15], [sflag:$0x2] =	stream.indirect.gather @!p0 [hbm4b:s5+s14], $0x40, s6, s14, $0xb8;
	[tilespmem:$0x15E00] =	vst v63  }
0x111: {  	s14 =	simm.s32 $0x0;
	s15 =	simm.s32 $0x400  }
.LBB2_9:
0x112: {  	p0 =	sne.s32 s15, $0xC400;
	v0 =	vld [tilespmem:s14+$0x64F0]  }
0x113: {  	v1 =	vld [tilespmem:s14+$0x6400]  }
0x114: {  	v2 =	vld [tilespmem:s14+$0x6410]  }
0x115: {  	v3 =	vld [tilespmem:s14+$0x6420]  }
0x116: {  	v4 =	vld [tilespmem:s14+$0x6430]  }
0x117: {  	[tilespmem:s14+$0x12CF0] =	vst.add.f32.msk $0xffff, v0  }
0x118: {  	v0 =	vld [tilespmem:s14+$0x6440]  }
0x119: {  	v5 =	vld [tilespmem:s14+$0x6450]  }
0x11a: {  	v6 =	vld [tilespmem:s14+$0x6460]  }
0x11b: {  	v7 =	vld [tilespmem:s14+$0x6470]  }
0x11c: {  	v8 =	vld [tilespmem:s14+$0x6480]  }
0x11d: {  	v9 =	vld [tilespmem:s14+$0x6490]  }
0x11e: {  	v10 =	vld [tilespmem:s14+$0x64A0]  }
0x11f: {  	v11 =	vld [tilespmem:s14+$0x64B0]  }
0x120: {  	v12 =	vld [tilespmem:s14+$0x64C0]  }
0x121: {  	v13 =	vld [tilespmem:s14+$0x64D0]  }
0x122: {  	v14 =	vld [tilespmem:s14+$0x64E0]  }
0x123: {  	[tilespmem:s14+$0x12C00] =	vst.add.f32.msk $0xffff, v1  }
0x124: {  	[tilespmem:s14+$0x12C10] =	vst.add.f32.msk $0xffff, v2  }
0x125: {  	[tilespmem:s14+$0x12C20] =	vst.add.f32.msk $0xffff, v3  }
0x126: {  	[tilespmem:s14+$0x12C30] =	vst.add.f32.msk $0xffff, v4  }
0x127: {  	[tilespmem:s14+$0x12C40] =	vst.add.f32.msk $0xffff, v0  }
0x128: {  	[tilespmem:s14+$0x12C50] =	vst.add.f32.msk $0xffff, v5  }
0x129: {  	[tilespmem:s14+$0x12C60] =	vst.add.f32.msk $0xffff, v6  }
0x12a: {  	[tilespmem:s14+$0x12C70] =	vst.add.f32.msk $0xffff, v7  }
0x12b: {  	[tilespmem:s14+$0x12C80] =	vst.add.f32.msk $0xffff, v8  }
0x12c: {  	[tilespmem:s14+$0x12C90] =	vst.add.f32.msk $0xffff, v9  }
.Ltmp3:
0x12d: {  	[tilespmem:s14+$0x12CA0] =	vst.add.f32.msk $0xffff, v10;
	(pc) =	sbr.rel @p0 .LBB2_9-.Ltmp3, $4  }
0x12e: {  	[tilespmem:s14+$0x12CB0] =	vst.add.f32.msk $0xffff, v11  }
0x12f: {  	[tilespmem:s14+$0x12CC0] =	vst.add.f32.msk $0xffff, v12  }
0x130: {  	[tilespmem:s14+$0x12CD0] =	vst.add.f32.msk $0xffff, v13  }
0x131: {  	[tilespmem:s14+$0x12CE0] =	vst.add.f32.msk $0xffff, v14;
	s14 =	sshra.s32 s15, $0x2;
	s15 =	sadd.s32 $0x400, s15  }
0x132: {  	v0 =	vld [tilespmem:s14+$0x64F0]  }
0x133: {  	v1 =	vld [tilespmem:s14+$0x6400]  }
0x134: {  	v2 =	vld [tilespmem:s14+$0x6410]  }
0x135: {  	v3 =	vld [tilespmem:s14+$0x6420]  }
0x136: {  	v4 =	vld [tilespmem:s14+$0x6430]  }
0x137: {  	v63 =	vld [tilespmem:s14+$0x6440]  }
0x138: {  	v5 =	vld [tilespmem:s14+$0x6450]  }
0x139: {  	v6 =	vld [tilespmem:s14+$0x6460]  }
0x13a: {  	v7 =	vld [tilespmem:s14+$0x6470]  }
0x13b: {  	v8 =	vld [tilespmem:s14+$0x6480]  }
0x13c: {  	v9 =	vld [tilespmem:s14+$0x6490]  }
0x13d: {  	v10 =	vld [tilespmem:s14+$0x64A0]  }
0x13e: {  	v11 =	vld [tilespmem:s14+$0x64B0]  }
0x13f: {  	v12 =	vld [tilespmem:s14+$0x64C0]  }
0x140: {  	v13 =	vld [tilespmem:s14+$0x64D0]  }
0x141: {  	v14 =	vld [tilespmem:s14+$0x64E0]  }
0x142: {  	[tilespmem:s14+$0x12CF0] =	vst.add.f32.msk $0xffff, v0  }
0x143: {  	[tilespmem:s14+$0x12C00] =	vst.add.f32.msk $0xffff, v1  }
0x144: {  	[tilespmem:s14+$0x12C10] =	vst.add.f32.msk $0xffff, v2  }
0x145: {  	[tilespmem:s14+$0x12C20] =	vst.add.f32.msk $0xffff, v3  }
0x146: {  	[tilespmem:s14+$0x12C30] =	vst.add.f32.msk $0xffff, v4  }
0x147: {  	[tilespmem:s14+$0x12C40] =	vst.add.f32.msk $0xffff, v63  }
0x148: {  	[tilespmem:s14+$0x12C50] =	vst.add.f32.msk $0xffff, v5  }
0x149: {  	[tilespmem:s14+$0x12C60] =	vst.add.f32.msk $0xffff, v6  }
0x14a: {  	[tilespmem:s14+$0x12C70] =	vst.add.f32.msk $0xffff, v7  }
0x14b: {  	[tilespmem:s14+$0x12C80] =	vst.add.f32.msk $0xffff, v8  }
0x14c: {  	[tilespmem:s14+$0x12C90] =	vst.add.f32.msk $0xffff, v9  }
0x14d: {  	[tilespmem:s14+$0x12CA0] =	vst.add.f32.msk $0xffff, v10  }
0x14e: {  	s6 =	sadd.s32 s4, s10;
	[tilespmem:s14+$0x12CB0] =	vst.add.f32.msk $0xffff, v11  }
0x14f: {  	s0 =	sadd.s32 $0x1, s0;
	s6 =	smul.u32 $0x640, s6;
	[tilespmem:s14+$0x12CC0] =	vst.add.f32.msk $0xffff, v12  }
0x150: {  	p0 =	sne.s32 s0, $0x20;
	[tilespmem:s14+$0x12CD0] =	vst.add.f32.msk $0xffff, v13  }
.Ltmp4:
0x151: {  	s6 =	sadd.s32 s2, s6;
	[tilespmem:s14+$0x12CE0] =	vst.add.f32.msk $0xffff, v14;
	(pc) =	sbr.rel @p0 .LBB2_2-.Ltmp4, $4  }
0x152: {  	[hbm4b:s6+s3] =	stream.linear.scatter [tilespmem:s24], [sflag:$0x8], $0x3200, $0x38;
	[tilespmem:$0x15E00] =	vst v63  }
0x153: {  	_ =	swait.ge [sflag:s31], $0x3200  }
0x154: {  	[sflag:s31] =	ssyncset.done $0x0  }
0x155: {  	[sflag:s31] =	ssyncadd.s32 $0xFFFFCE00  }
0x156: {  	s1 =	sadd.s32 $0x1, s1  }
0x157: {  	p0 =	sne.s32 s1, s8  }
.Ltmp5:
0x158: {  	_ = 	snop;
	(pc) =	sbr.rel @p0 .LBB2_1-.Ltmp5, $1  }
0x159: {  	_ =	sdelay $0x3  }
0x15a: {  	_ =	sfence.sel $0x180000  }
0x15b: {  	[bflag:$0x0] =	sbarrier.arrive $0xFFFF  }
0x15c: {  	_ =	strace $0x90000047  }
0x15d: {  	s0 =	stileid.u32;
	[bflag:$0x2] =	sbarrier.arrive $0xFFFF  }
0x15e: {  	p0 =	sne.s32 s0, $0x0;
	s0 =	rddreg [dreg:$0x2]  }
0x15f: {  	s0 =	sadd.s32 @!p0 $0x100000, s0  }
0x160: {  	[sflag:s0] =	ssyncadd.tile.s32 @!p0 $0x1;
	_ =	shalt  }
.Lfunc_end2:
_tile_overlayer_lowered:
.L_overlay_start_2:
0x161: {  	(tag) =	ssettag $0x2  }
0x162: {  	s0 =	rddreg [dreg:$0x0];
	s2 =	stileid.u32  }
0x163: {  	s1 =	rddreg [dreg:$0x1];
	p0 =	sne.s32 s2, $0x0  }
0x164: {  	s3 =	rddreg [dreg:$0x2];
	[bflag:$0x3] =	sbarrier.arrive $0xFFFF;
	s2 =	simm.s32 @!p0 $0x1C09  }
0x165: {  	[timem:s3], [sflag:s2] =	dma.local @!p0 [hbm:s0], s1  }
0x166: {  	s0 =	simm.s32 @!p0 $0x9  }
0x167: {  	_ =	swait.ge @!p0 [sflag:s0], s1  }
0x168: {  	s1 =	ssub.s32 @!p0 $0x0, s1;
	[sflag:s0] =	ssyncset.done @!p0 $0x0  }
0x169: {  	[sflag:s0] =	ssyncadd.s32 @!p0 s1  }
0x16a: {  	[bflag:$0x3] =	sbarrier.arrive $0xFFFF  }
0x16b: {  	_ =	shalt  }

// kernel: sparse-core-data-format-call.cloned.1.call-start
scs
called_computation_lowered:
.L_overlay_start_0:
0x0: {  	s2 =	sld [smem:$0x3FD9]  }
0x1: {  	s3 =	sld [smem:$0x3FFE];
	_ =	sdelay $0x1  }
0x2: {  	s1 =	srdreg.scid  }
0x3: {  	s0 =	sand.u32 $0x1, s1  }
0x4: {  	s18 =	sshll.u32 s0, $0xA;
	s2 =	sadd.s32 s3, s2  }
0x5: {  	s2 =	sadd.s32 s2, s18  }
0x6: {  	[smem:$0x3FC5] =	sst s2  }
0x7: {  	_ = 	snop  }
0x8: {  	s2 =	sld [smem:$0x3FD0];
	(tm) =	ssettm $0x1  }
0x9: {  	s19 =	sld [smem:$0x3FFB];
	_ =	sdelay $0x3  }
0xa: {  	_ =	strace s19  }
0xb: {  	s3 =	sld [smem:$0x3FFC];
	_ =	sdelay $0x3  }
0xc: {  	_ =	strace s3  }
0xd: {  	s3 =	sld [smem:$0x3FFD];
	_ =	sdelay $0x3  }
0xe: {  	_ =	strace s3  }
0xf: {  	_ =	strace $0x8FFFFFFF  }
0x10: {  	s20 =	sld [smem:$0x3FDB];
	_ =	sdelay $0x1  }
0x11: {  	s4 =	simm.s32 $_scs_section_size  }
0x12: {  	s5 =	simm.s32 $_size__tile_overlayer_lowered;
	s6 =	simm.s32 $_tile_overlayer_lowered  }
0x13: {  	s23 =	simm.s32 $0x1BFF;
	s22 =	sshll.u32 s6, $0x1;
	s3 =	sadd.s32 s4, s20  }
0x14: {  	s7 =	simm.s32 $0x0;
	s21 =	sshll.u32 s5, $0x1;
	s5 =	sadd.s32 s22, s3  }
0x15: {  	[timem:s7], [sflag:s23] =	dma.local [hbm:s5], s21  }
0x16: {  	_ =	swait.ge [sflag:s23], s21  }
0x17: {  	s4 =	ssub.s32 $0x0, s21;
	[sflag:s23] =	ssyncset.done $0x0  }
0x18: {  	[sflag:s23] =	ssyncadd.s32 s4;
	_ =	sdelay $0x1  }
0x19: {  	s24 =	simm.s32 $0x1B8B  }
0x1a: {  	_ =	swait.ge [sflag:s24], $0x1  }
0x1b: {  	[sflag:s24] =	ssyncset.done $0x0  }
0x1c: {  	s26 =	simm.s32 $0x1B8E;
	s25 =	sld [smem:$0x3FFE];
	[sflag:s24] =	ssyncadd.s32 $0xFFFFFFFF  }
0x1d: {  	s27 =	simm.s32 $execute0_lowered;
	[smem:$0x3FD2] =	sst s26  }
0x1e: {  	s5 =	sshll.u32 s27, $0x1;
	_ =	strace $0x80000049;
	[dreg:$0x1] =	wrdreg $0xFFFFFFFF  }
0x1f: {  	s28 =	simm.s32 $_size_execute0_lowered;
	s3 =	sadd.s32 s3, s5;
	[dreg:$0x0] =	wrdreg $0x0  }
0x20: {  	s5 =	sshll.u32 s28, $0x1;
	[dreg:$0x2] =	wrdreg s3  }
0x21: {  	[dreg:$0x3] =	wrdreg s5  }
0x22: {  	[dreg:$0x4] =	wrdreg $0xC0  }
0x23: {  	_ =	task [dreg:s7], $0x5FFFF  }
0x24: {  	[dreg:$0x1] =	wrdreg $0xFFFFFFFF  }
0x25: {  	[dreg:$0x0] =	wrdreg $0x60  }
0x26: {  	[dreg:$0x2] =	wrdreg s25  }
0x27: {  	[dreg:$0x3] =	wrdreg s2  }
0x28: {  	[dreg:$0x4] =	wrdreg $0x9  }
0x29: {  	_ =	task.clear_ibuf [dreg:s7], $0x5FFFF;
	_ =	strace $0x90000049  }
0x2a: {  	s29 =	simm.s32 $0x9;
	_ =	strace $0x8000004B  }
0x2b: {  	_ =	swait.ge [sflag:s29], $0x1  }
0x2c: {  	[sflag:s29] =	ssyncadd.s32 $0xFFFFFFFF  }
0x2d: {  	_ =	strace $0x9000004B  }
0x2e: {  	_ =	sfence  }
0x2f: {  	s30 =	sld [smem:$0x0];
	_ =	sdelay $0x2  }
0x30: {  	s31 =	sshll.u32 s1, $0xD;
	s1 =	sshrl.u32 s1, $0x2  }
0x31: {  	s3 =	sand.u32 $0x4000, s31;
	s1 =	sadd.s32 s1, s30  }
0x32: {  	s0 =	sor.u32 s3, s0;
	s1 =	sshll.u32 s1, $0x11  }
0x33: {  	s0 =	sor.u32 s1, s0  }
0x34: {  	s0 =	sadd.s32 $0x8F2B, s0  }
0x35: {  	[sflag:s0] =	ssyncadd.remote.s32 $0x1  }
0x36: {  	_ =	sfence.sel $0xFFFF  }
0x37: {  	[dreg:$0x0] =	wrdreg $0xFFFFFFFF;
	(pc) =	sbr.abs _section_cstart, $3  }
0x38: {  	[dreg:$0x1] =	wrdreg $0xFFFFFFFF  }
0x39: {  	_ =	task.clear_ibuf [dreg:s7], $0x2FFFF;
	_ =	strace $0x9FFFFFFF  }
0x3a: {  	(tm) =	ssettm $0x7FFFFFFF  }
0x3b: {  	_ =	shalt  }
tec
execute0_lowered:
.L_overlay_start_1:
0x0: {  	(tag) =	ssettag $0x1  }
0x1: {  	s0 =	srdreg.scid  }
0x2: {  	s1 =	sshll.u32 s0, $0x4  }
0x3: {  	s0 =	stileid.u32;
	s1 =	sand.u32 $0x10, s1  }
0x4: {  	s1 =	sor.u32 s0, s1  }
0x5: {  	s6 =	rddreg [dreg:$0x0];
	s4 =	simm.s32 $0x1;
	s2 =	sshll.u32 s1, $0x7  }
0x6: {  	s7 =	simm.s32 $0x2;
	s12 =	simm.s32 $0x0;
	s1 =	ssub.s32 $0x1000, s2  }
0x7: {  	s8 =	simm.s32 $0x8000;
	s13 =	simm.s32 $0x0;
	s3 =	sand.u32 $0xF80, s1  }
0x8: {  	s9 =	simm.s32 $0x0;
	s5 =	sshrl.u32 s1, $0xC;
	p0 =	sne.s32 s3, $0x0  }
.Ltmp0:
0x9: {  	s1 =	rddreg [dreg:$0x2];
	s4 =	simm.s32 @!p0 $0x0;
	(pc) =	sbr.rel .LBB1_1-.Ltmp0, $4  }
0xa: {  	s11 =	simm.s32 $0x0;
	s3 =	rddreg [dreg:$0x1];
	s5 =	sadd.s32 s4, s5  }
0xb: {  	_ =	strace $0x8000004A;
	s4 =	simm.s32 $0x1;
	s5 =	smul.u32 $0xC8, s5  }
0xc: {  	s6 =	sadd.s32 $0xC00, s6;
	s10 =	smov.u32 s2;
	[sflag:s4] =	ssyncpa.u1 $0x0  }
0xd: {  	p0 =	por $0x0, $0x0;
	[sflag:s7] =	ssyncpa.u1 $0x0;
	s7 =	sor.u32 $0x1, s5  }
.LBB1_4:
0xe: {  	s16 =	sshll.u32 s13, $0x3;
	s17 =	sand.u32 $0x78, s13  }
0xf: {  	s30 =	sand.u32 $0x7E00, s13;
	s12 =	sshll.u32 s12, $0xF;
	s16 =	sand.u32 $0xC00, s16  }
0x10: {  	[tilespmem:s15+$0x810 ss:$0x81] =	vst.msk $0xffff, v2;
	s31 =	sand.u32 $0x7, s13;
	s16 =	sor.u32 s17, s16;
	s17 =	sadd.s32 s3, s30  }
0x11: {  	[tilespmem:s15+$0x1020 ss:$0x81] =	vst.msk $0xffff, v0;
	s13 =	sshll.u32 s31, $0x12;
	s12 =	sadd.s32 s12, s17;
	s16 =	sshrl.u32 s16, $0x3  }
0x12: {  	[tilespmem:s15+$0x0 ss:$0x81] =	vst.msk $0xffff, v1;
	s13 =	sor.u32 $0x400, s13;
	s12 =	sadd.s32 s16, s12  }
0x13: {  	[hbm4b:s12+s13] =	stream.strided.scatter [tilespmem:s14], [sflag:$0x2], $0x2000, s8, s13, $0x20;
	[tilespmem:$0x8080] =	vst v63  }
.LBB1_5:
0x14: {  	s14 =	sadd.s32 $0x1, s9  }
0x15: {  	s12 =	sadd.s32 $0x1000, s10;
	s16 =	smov.u32 s10;
	p2 =	sgt.s32 s14, $0xC7  }
0x16: {  	s16 =	smov.u32 @p2 s12  }
0x17: {  	s14 =	simm.s32 @p2 $0x0;
	p2 =	sgt.s32 s16, $0xFFF  }
0x18: {  	s16 =	smov.u32 @p2 s2;
	p2 =	sne.s32 s11, s7  }
.Ltmp1:
0x19: {  	p1 =	slt.u32 s11, $0x2;
	(pc) =	sbr.rel @!p2 .LBB1_6-.Ltmp1, $4  }
0x1a: {  	s15 =	simm.s32 @!p1 $0x2  }
0x1b: {  	s13 =	smov.u32 s10;
	p0 =	por !p0, !p0;
	_ =	swait.ge @!p1 [sflag:s15], $0x2000  }
0x1c: {  	s12 =	smov.u32 s9;
	[sflag:s15] =	ssyncset.done @!p1 $0x0;
	s9 =	smov.u32 s14  }
0x1d: {  	s11 =	sadd.s32 $0x1, s11;
	[sflag:s15] =	ssyncadd.s32 @!p1 $0xFFFFE000;
	s10 =	smov.u32 s16  }
.LBB1_1:
0x1e: {  	p1 =	sge.u32 s11, s5  }
0x1f: {  	s14 =	sand.u32 @!p1 $0x1FFFFFF, s9  }
0x20: {  	s15 =	smulhi.u32 @!p1 $0x147AE15, s14;
	_ =	sdelay $0x1  }
0x21: {  	s15 =	smul.u32 @!p1 $0xC8, s15  }
0x22: {  	s16 =	sxor.u32 @!p1 $0xFFFFFFFF, s11;
	s17 =	smul.u32 @!p1 $0xC80, s10  }
0x23: {  	s31 =	sadd.s32 $0xFFFFFFFF, s11;
	s16 =	sshll.u32 @!p1 s16, $0xD;
	s14 =	ssub.s32 @!p1 s14, s15  }
0x24: {  	s15 =	sand.u32 @!p1 $0x2000, s16;
	s16 =	sadd.s32 @!p1 s6, s17;
	s14 =	sshll.u32 @!p1 s14, $0x4  }
0x25: {  	s17 =	simm.s32 @!p1 $0x6400;
	s14 =	sadd.s32 @!p1 s14, s16;
	s16 =	simm.s32 @!p1 $0x40  }
0x26: {  	[tilespmem:s15], [sflag:$0x1] =	stream.strided.gather @!p1 [hbm4b:s14+s16], $0x2000, s17, s16, $0x38;
	[tilespmem:$0x8080] =	vst v63  }
0x27: {  	p1 =	sge.u32 s31, s5  }
.Ltmp2:
0x28: {  	_ = 	snop;
	(pc) =	sbr.rel @p1 .LBB1_5-.Ltmp2, $1  }
0x29: {  	_ =	sdelay $0x3  }
0x2a: {  	s14 =	simm.s32 $0x1  }
0x2b: {  	_ =	swait.ge [sflag:s4], $0x2000;
	s14 =	simm.s32 @!p0 $0x0  }
0x2c: {  	[sflag:s4] =	ssyncset.done $0x0;
	s15 =	sshll.u32 s14, $0xD  }
0x2d: {  	[sflag:s4] =	ssyncadd.s32 $0xFFFFE000;
	s18 =	sor.u32 $0x20, s15  }
0x2e: {  	s14 =	smul.u32 $0x8100, s14;
	v3 =	vld [tilespmem:s18+$0x10]  }
0x2f: {  	s30 =	sand.u32 $0x1, s11;
	v2 =	vld [tilespmem:s18+$0xFFFFFFF0]  }
0x30: {  	s15 =	smul.u32 $0x8100, s30;
	s14 =	sshrl.u32 s14, $0x2;
	v0 =	vld [tilespmem:s18+$0x0]  }
0x31: {  	v1 =	vld [tilespmem:s18+$0xFFFFFFE0];
	s16 =	sor.u32 $0x4000, s14  }
0x32: {  	s31 =	sshrl.u32 s15, $0x2;
	s15 =	sadd.s32 $0x0, s16  }
0x33: {  	s17 =	simm.s32 $0x4;
	s18 =	sadd.s32 $0x40, s18;
	s14 =	sor.u32 $0x4000, s31;
	[tilespmem:s15+$0x1830 ss:$0x81] =	vst.msk $0xffff, v3  }
.LBB1_3:
0x34: {  	v3 =	vld [tilespmem:s18+$0x10];
	p1 =	sne.s32 s17, $0x1FC;
	[tilespmem:s15+$0x810 ss:$0x81] =	vst.msk $0xffff, v2;
	s19 =	smov.u32 s17;
	s17 =	sadd.s32 $0x4, s17  }
.Ltmp3:
0x35: {  	v2 =	vld [tilespmem:s18+$0xFFFFFFF0];
	[tilespmem:s15+$0x1020 ss:$0x81] =	vst.msk $0xffff, v0;
	(pc) =	sbr.rel @p1 .LBB1_3-.Ltmp3, $4  }
0x36: {  	v0 =	vld [tilespmem:s18+$0x0];
	[tilespmem:s15+$0x0 ss:$0x81] =	vst.msk $0xffff, v1  }
0x37: {  	s15 =	sshra.s32 s19, $0x2;
	v1 =	vld [tilespmem:s18+$0xFFFFFFE0]  }
0x38: {  	s15 =	sadd.s32 s15, s16  }
0x39: {  	s18 =	sadd.s32 $0x40, s18;
	[tilespmem:s15+$0x1830 ss:$0x81] =	vst.msk $0xffff, v3  }
.Ltmp4:
0x3a: {  	_ = 	snop;
	(pc) =	sbr.rel .LBB1_4-.Ltmp4, $1  }
0x3b: {  	_ =	sdelay $0x3  }
.LBB1_6:
0x3c: {  	_ =	sfence.sel $0x180000  }
0x3d: {  	s2 =	simm.s32 $0x1;
	[bflag:$0x0] =	sbarrier.arrive $0xFFFF  }
0x3e: {  	s31 =	simm.s32 $0x2;
	[sflag:s2] =	ssyncpa.u1 $0x1  }
0x3f: {  	[sflag:s31] =	ssyncpa.u1 $0x1  }
0x40: {  	p0 =	sne.s32 s0, $0x0;
	_ =	strace $0x9000004A  }
0x41: {  	s0 =	sadd.s32 @!p0 $0x100000, s1;
	[bflag:$0x2] =	sbarrier.arrive $0xFFFF  }
0x42: {  	[sflag:s0] =	ssyncadd.tile.s32 @!p0 $0x1;
	_ =	shalt  }
.Lfunc_end1:
_tile_overlayer_lowered:
.L_overlay_start_2:
0x43: {  	(tag) =	ssettag $0x2  }
0x44: {  	s0 =	rddreg [dreg:$0x0];
	s2 =	stileid.u32  }
0x45: {  	s1 =	rddreg [dreg:$0x1];
	p0 =	sne.s32 s2, $0x0  }
0x46: {  	s3 =	rddreg [dreg:$0x2];
	[bflag:$0x3] =	sbarrier.arrive $0xFFFF;
	s2 =	simm.s32 @!p0 $0x1C01  }
0x47: {  	[timem:s3], [sflag:s2] =	dma.local @!p0 [hbm:s0], s1  }
0x48: {  	s0 =	simm.s32 @!p0 $0x1  }
0x49: {  	_ =	swait.ge @!p0 [sflag:s0], s1  }
0x4a: {  	s1 =	ssub.s32 @!p0 $0x0, s1;
	[sflag:s0] =	ssyncset.done @!p0 $0x0  }
0x4b: {  	[sflag:s0] =	ssyncadd.s32 @!p0 s1  }
0x4c: {  	[bflag:$0x3] =	sbarrier.arrive $0xFFFF  }
0x4d: {  	_ =	shalt  }

</sc_bundles>
